<compile_context>
chip_gen: v7x
topology: tpu7x:2x2x1
jax: 0.10.2.dev20260603
libtpu: 0.0.44.dev20260713+nightly
codegen_flags: <defaults>
</compile_context>

<pallas_src>
import functools

import jax
import jax.numpy as jnp
from jax import lax
from jax.experimental import pallas as pl
from jax.experimental.pallas import tpu as pltpu
from jax.experimental.pallas import tpu_sc as plsc

_NC = 2
_NS = 16
_NW = _NC * _NS
_CH = 128
_NBUF = 4
_LEAD = 2


def _sc_embed(idx3, tpad, d):
    n_ch = idx3.shape[1]
    dp = tpad.shape[1]
    b = _NW * n_ch * _CH
    mesh = plsc.VectorSubcoreMesh(core_axis_name="c", subcore_axis_name="s")

    @functools.partial(
        pl.kernel,
        mesh=mesh,
        out_type=jax.ShapeDtypeStruct((b, dp), jnp.float32),
        scratch_types=[
            pltpu.VMEM((n_ch, _CH), jnp.int32),
            pltpu.VMEM((_NBUF, _CH, dp), jnp.float32),
            pltpu.SemaphoreType.DMA((_NBUF,)),
            pltpu.SemaphoreType.DMA((_NBUF,)),
        ],
    )
    def k(idx_hbm, table_hbm, out_hbm, idx_v, rows_v, sem_g, sem_w):
        wid = lax.axis_index("s") * _NC + lax.axis_index("c")
        base = wid * n_ch * _CH
        pltpu.sync_copy(idx_hbm.at[wid], idx_v)

        def start_gather(j, bu):
            pltpu.async_copy(table_hbm.at[idx_v.at[j]], rows_v.at[bu], sem_g.at[bu])

        def wait_gather(j, bu):
            pltpu.make_async_copy(
                table_hbm.at[idx_v.at[j]], rows_v.at[bu], sem_g.at[bu]).wait()

        def start_write(j, bu):
            pltpu.async_copy(
                rows_v.at[bu], out_hbm.at[pl.ds(base + j * _CH, _CH)],
                sem_w.at[bu])

        def wait_write(j, bu):
            pltpu.make_async_copy(
                rows_v.at[bu], out_hbm.at[pl.ds(base + j * _CH, _CH)],
                sem_w.at[bu]).wait()

        for bu in range(_LEAD):
            start_gather(bu, bu)
        for j in range(_LEAD):
            start_gather(j + _LEAD, j + _LEAD)
            wait_gather(j, j)
            start_write(j, j)

        n_steady = n_ch - 2 * _LEAD
        n_groups = n_steady // _NBUF

        def body(q, carry):
            jb = q * _NBUF + _LEAD
            for r in range(_NBUF):
                j = jb + r
                bu = (_LEAD + r) % _NBUF
                bn = r
                wait_write(j - _LEAD, bn)
                start_gather(j + _LEAD, bn)
                wait_gather(j, bu)
                start_write(j, bu)
            return carry

        lax.fori_loop(0, n_groups, body, 0)

        for r in range(_LEAD):
            j = n_ch - _LEAD + r
            bu = j % _NBUF
            bn = (j + _LEAD) % _NBUF
            wait_write(j - _LEAD, bn)
            wait_gather(j, bu)
            start_write(j, bu)
        for r in range(_LEAD):
            j = n_ch - _LEAD + r
            wait_write(j, j % _NBUF)

    return k(idx3, tpad)


def kernel(x, table):
    s, t = x.shape
    v, d = table.shape
    b = s * t
    n_ch = b // (_NW * _CH)
    tpad = jnp.pad(table, ((0, 0), (0, 128 - d)))
    idx3 = x.reshape(_NW, n_ch, _CH).astype(jnp.int32)
    out = _sc_embed(idx3, tpad, d)
    return out[:, :d].reshape(s, t, d)

# --- scband reference (transcript-rebuilt; emitter-appended) ---
"""Pipeline reference for scband-embedder-87909390614755 (READ-ONLY COPY).

The authoritative reference and input builder live on the scoring server;
editing this copy changes nothing except your own understanding.
"""

import jax, jax.numpy as jnp
import numpy as np

VOCAB = 1000000
D_MODEL = 64

def setup_inputs(seed: int = 0) -> dict:
    key = jax.random.key(seed)
    k_idx, k_tab = jax.random.split(key)
    x = jax.random.randint(k_idx, (4096, 200), 0, VOCAB, dtype=jnp.int64 if jax.config.jax_enable_x64 else jnp.int32)
    table = jax.random.normal(k_tab, (VOCAB, D_MODEL), dtype=jnp.float32)
    return {"x": x, "table": table}

def reference(x, table):
    # nn.Embedding forward: row gather from the embedding table
    return jnp.take(table, x, axis=0)

if __name__ == "__main__":
    import jax
    _d = setup_inputs()
    print(jax.jit(kernel)(*tuple(_d.values())))

</pallas_src>

<mosaic_0001>
#map = affine_map<(d0, d1) -> (0, 0, 0)>
#map1 = affine_map<(d0, d1) -> (0, 0)>
module attributes {stable_mosaic.version = 14 : i64} {
  func.func @k(%arg0: i32, %arg1: i32, %arg2: memref<32x200x128xi32, #tpu.memory_space<hbm>>, %arg3: memref<1000000x128xf32, #tpu.memory_space<hbm>>, %arg4: memref<819200x128xf32, #tpu.memory_space<hbm>>, %arg5: memref<200x128xi32, #tpu.memory_space<vmem>>, %arg6: memref<4x128x128xf32, #tpu.memory_space<vmem>>, %arg7: memref<4x!tpu.dma_semaphore, #tpu.memory_space<semaphore_mem>>, %arg8: memref<4x!tpu.dma_semaphore, #tpu.memory_space<semaphore_mem>>) attributes {dimension_semantics = [#tpu.dimension_semantics<core_parallel>, #tpu.dimension_semantics<subcore_parallel>], iteration_bounds = array<i64: 2, 16>, scalar_prefetch = 0 : i64, scratch_operands = 4 : i64, tpu.core_type = #tpu.core_type<sc_vector_subcore>, window_params = [{transform_indices = #map}, {transform_indices = #map1}, {transform_indices = #map1}]} {
    %mul3A = arith.constant 2 : i32
    %mul3A_0 = arith.muli %arg1, %mul3A : i32
    %add3A = arith.addi %mul3A_0, %arg0 : i32
    %mul3A_1 = arith.constant 200 : i32
    %mul3A_2 = arith.muli %add3A, %mul3A_1 : i32
    %mul3A_3 = arith.constant 128 : i32
    %mul3A_4 = arith.muli %mul3A_2, %mul3A_3 : i32
    "tpu.region"() ({
      %run_scoped3A = tpu.sem_alloc : memref<!tpu.dma_semaphore, #tpu.memory_space<semaphore_mem>>
      %dma_start3A_272 = arith.constant 0 : i32
      %dma_start3A_273 = arith.constant 0 : i32
      %dma_start3A_274 = tpu.memref_slice %arg2[%add3A, %dma_start3A_272, %dma_start3A_273] : memref<32x200x128xi32, #tpu.memory_space<hbm>> -> memref<1x200x128xi32, #tpu.memory_space<hbm>>
      %dma_start3A_275 = tpu.memref_squeeze %dma_start3A_274 : memref<1x200x128xi32, #tpu.memory_space<hbm>> -> memref<200x128xi32, #tpu.memory_space<hbm>>
      %dma_start3A_276 = arith.constant 0 : i32
      %dma_start3A_277 = arith.constant 0 : i32
      %dma_start3A_278 = tpu.memref_slice %arg2[%add3A, %dma_start3A_276, %dma_start3A_277] : memref<32x200x128xi32, #tpu.memory_space<hbm>> -> memref<1x200x128xi32, #tpu.memory_space<hbm>>
      %dma_start3A_279 = tpu.memref_squeeze %dma_start3A_278 : memref<1x200x128xi32, #tpu.memory_space<hbm>> -> memref<200x128xi32, #tpu.memory_space<hbm>>
      tpu.enqueue_dma source(%dma_start3A_279 : memref<200x128xi32, #tpu.memory_space<hbm>>) target(%arg5 : memref<200x128xi32, #tpu.memory_space<vmem>>) target_semaphore(%run_scoped3A : memref<!tpu.dma_semaphore, #tpu.memory_space<semaphore_mem>>)
      %dma_wait3A_280 = arith.constant 0 : i32
      %dma_wait3A_281 = arith.constant 0 : i32
      %dma_wait3A_282 = tpu.memref_slice %arg2[%add3A, %dma_wait3A_280, %dma_wait3A_281] : memref<32x200x128xi32, #tpu.memory_space<hbm>> -> memref<1x200x128xi32, #tpu.memory_space<hbm>>
      %dma_wait3A_283 = tpu.memref_squeeze %dma_wait3A_282 : memref<1x200x128xi32, #tpu.memory_space<hbm>> -> memref<200x128xi32, #tpu.memory_space<hbm>>
      %dma_wait3A_284 = arith.constant 0 : i32
      %dma_wait3A_285 = arith.constant 0 : i32
      %dma_wait3A_286 = tpu.memref_slice %arg2[%add3A, %dma_wait3A_284, %dma_wait3A_285] : memref<32x200x128xi32, #tpu.memory_space<hbm>> -> memref<1x200x128xi32, #tpu.memory_space<hbm>>
      %dma_wait3A_287 = tpu.memref_squeeze %dma_wait3A_286 : memref<1x200x128xi32, #tpu.memory_space<hbm>> -> memref<200x128xi32, #tpu.memory_space<hbm>>
      tpu.wait_dma2 semaphore(%run_scoped3A : memref<!tpu.dma_semaphore, #tpu.memory_space<semaphore_mem>>) src(%dma_wait3A_287 : memref<200x128xi32, #tpu.memory_space<hbm>>) dst(%arg5 : memref<200x128xi32, #tpu.memory_space<vmem>>)
      tpu.yield
    }) : () -> ()
    %dma_start3A = arith.constant 0 : i32
    %dma_start3A_5 = arith.constant 0 : i32
    %dma_start3A_6 = arith.constant 0 : i32
    %dma_start3A_7 = arith.constant 0 : i32
    %dma_start3A_8 = arith.constant 0 : i32
    %dma_start3A_9 = tpu.memref_slice %arg6[%dma_start3A_5, %dma_start3A_7, %dma_start3A_8] : memref<4x128x128xf32, #tpu.memory_space<vmem>> -> memref<1x128x128xf32, #tpu.memory_space<vmem>>
    %dma_start3A_10 = tpu.memref_squeeze %dma_start3A_9 : memref<1x128x128xf32, #tpu.memory_space<vmem>> -> memref<128x128xf32, #tpu.memory_space<vmem>>
    %dma_start3A_11 = arith.constant 0 : i32
    %dma_start3A_12 = tpu.memref_slice %arg5[%dma_start3A, %dma_start3A_11] : memref<200x128xi32, #tpu.memory_space<vmem>> -> memref<1x128xi32, #tpu.memory_space<vmem>>
    %dma_start3A_13 = tpu.memref_squeeze %dma_start3A_12 : memref<1x128xi32, #tpu.memory_space<vmem>> -> memref<128xi32, #tpu.memory_space<vmem>>
    %dma_start3A_14 = arith.constant 0 : i32
    %dma_start3A_15 = arith.constant 0 : i32
    %dma_start3A_16 = tpu.memref_slice %arg3[%dma_start3A_14, %dma_start3A_15] : memref<1000000x128xf32, #tpu.memory_space<hbm>> -> memref<1000000x128xf32, #tpu.memory_space<hbm>>
    %dma_start3A_17 = tpu.memref_slice %arg7[%dma_start3A_6] : memref<4x!tpu.dma_semaphore, #tpu.memory_space<semaphore_mem>> -> memref<1x!tpu.dma_semaphore, #tpu.memory_space<semaphore_mem>>
    %dma_start3A_18 = tpu.memref_squeeze %dma_start3A_17 : memref<1x!tpu.dma_semaphore, #tpu.memory_space<semaphore_mem>> -> memref<!tpu.dma_semaphore, #tpu.memory_space<semaphore_mem>>
    tpu.enqueue_indirect_dma source(%dma_start3A_16 : memref<1000000x128xf32, #tpu.memory_space<hbm>>) target(%dma_start3A_10 : memref<128x128xf32, #tpu.memory_space<vmem>>) offsets(%dma_start3A_13 : memref<128xi32, #tpu.memory_space<vmem>>) semaphore(%dma_start3A_18 : memref<!tpu.dma_semaphore, #tpu.memory_space<semaphore_mem>>)
    %dma_start3A_19 = arith.constant 1 : i32
    %dma_start3A_20 = arith.constant 1 : i32
    %dma_start3A_21 = arith.constant 1 : i32
    %dma_start3A_22 = arith.constant 0 : i32
    %dma_start3A_23 = arith.constant 0 : i32
    %dma_start3A_24 = tpu.memref_slice %arg6[%dma_start3A_20, %dma_start3A_22, %dma_start3A_23] : memref<4x128x128xf32, #tpu.memory_space<vmem>> -> memref<1x128x128xf32, #tpu.memory_space<vmem>>
    %dma_start3A_25 = tpu.memref_squeeze %dma_start3A_24 : memref<1x128x128xf32, #tpu.memory_space<vmem>> -> memref<128x128xf32, #tpu.memory_space<vmem>>
    %dma_start3A_26 = arith.constant 0 : i32
    %dma_start3A_27 = tpu.memref_slice %arg5[%dma_start3A_19, %dma_start3A_26] : memref<200x128xi32, #tpu.memory_space<vmem>> -> memref<1x128xi32, #tpu.memory_space<vmem>>
    %dma_start3A_28 = tpu.memref_squeeze %dma_start3A_27 : memref<1x128xi32, #tpu.memory_space<vmem>> -> memref<128xi32, #tpu.memory_space<vmem>>
    %dma_start3A_29 = arith.constant 0 : i32
    %dma_start3A_30 = arith.constant 0 : i32
    %dma_start3A_31 = tpu.memref_slice %arg3[%dma_start3A_29, %dma_start3A_30] : memref<1000000x128xf32, #tpu.memory_space<hbm>> -> memref<1000000x128xf32, #tpu.memory_space<hbm>>
    %dma_start3A_32 = tpu.memref_slice %arg7[%dma_start3A_21] : memref<4x!tpu.dma_semaphore, #tpu.memory_space<semaphore_mem>> -> memref<1x!tpu.dma_semaphore, #tpu.memory_space<semaphore_mem>>
    %dma_start3A_33 = tpu.memref_squeeze %dma_start3A_32 : memref<1x!tpu.dma_semaphore, #tpu.memory_space<semaphore_mem>> -> memref<!tpu.dma_semaphore, #tpu.memory_space<semaphore_mem>>
    tpu.enqueue_indirect_dma source(%dma_start3A_31 : memref<1000000x128xf32, #tpu.memory_space<hbm>>) target(%dma_start3A_25 : memref<128x128xf32, #tpu.memory_space<vmem>>) offsets(%dma_start3A_28 : memref<128xi32, #tpu.memory_space<vmem>>) semaphore(%dma_start3A_33 : memref<!tpu.dma_semaphore, #tpu.memory_space<semaphore_mem>>)
    %dma_start3A_34 = arith.constant 2 : i32
    %dma_start3A_35 = arith.constant 2 : i32
    %dma_start3A_36 = arith.constant 2 : i32
    %dma_start3A_37 = arith.constant 0 : i32
    %dma_start3A_38 = arith.constant 0 : i32
    %dma_start3A_39 = tpu.memref_slice %arg6[%dma_start3A_35, %dma_start3A_37, %dma_start3A_38] : memref<4x128x128xf32, #tpu.memory_space<vmem>> -> memref<1x128x128xf32, #tpu.memory_space<vmem>>
    %dma_start3A_40 = tpu.memref_squeeze %dma_start3A_39 : memref<1x128x128xf32, #tpu.memory_space<vmem>> -> memref<128x128xf32, #tpu.memory_space<vmem>>
    %dma_start3A_41 = arith.constant 0 : i32
    %dma_start3A_42 = tpu.memref_slice %arg5[%dma_start3A_34, %dma_start3A_41] : memref<200x128xi32, #tpu.memory_space<vmem>> -> memref<1x128xi32, #tpu.memory_space<vmem>>
    %dma_start3A_43 = tpu.memref_squeeze %dma_start3A_42 : memref<1x128xi32, #tpu.memory_space<vmem>> -> memref<128xi32, #tpu.memory_space<vmem>>
    %dma_start3A_44 = arith.constant 0 : i32
    %dma_start3A_45 = arith.constant 0 : i32
    %dma_start3A_46 = tpu.memref_slice %arg3[%dma_start3A_44, %dma_start3A_45] : memref<1000000x128xf32, #tpu.memory_space<hbm>> -> memref<1000000x128xf32, #tpu.memory_space<hbm>>
    %dma_start3A_47 = tpu.memref_slice %arg7[%dma_start3A_36] : memref<4x!tpu.dma_semaphore, #tpu.memory_space<semaphore_mem>> -> memref<1x!tpu.dma_semaphore, #tpu.memory_space<semaphore_mem>>
    %dma_start3A_48 = tpu.memref_squeeze %dma_start3A_47 : memref<1x!tpu.dma_semaphore, #tpu.memory_space<semaphore_mem>> -> memref<!tpu.dma_semaphore, #tpu.memory_space<semaphore_mem>>
    tpu.enqueue_indirect_dma source(%dma_start3A_46 : memref<1000000x128xf32, #tpu.memory_space<hbm>>) target(%dma_start3A_40 : memref<128x128xf32, #tpu.memory_space<vmem>>) offsets(%dma_start3A_43 : memref<128xi32, #tpu.memory_space<vmem>>) semaphore(%dma_start3A_48 : memref<!tpu.dma_semaphore, #tpu.memory_space<semaphore_mem>>)
    %dma_wait3A = arith.constant 0 : i32
    %dma_wait3A_49 = arith.constant 0 : i32
    %dma_wait3A_50 = arith.constant 0 : i32
    %dma_wait3A_51 = arith.constant 0 : i32
    %dma_wait3A_52 = arith.constant 0 : i32
    %dma_wait3A_53 = tpu.memref_slice %arg6[%dma_wait3A_49, %dma_wait3A_51, %dma_wait3A_52] : memref<4x128x128xf32, #tpu.memory_space<vmem>> -> memref<1x128x128xf32, #tpu.memory_space<vmem>>
    %dma_wait3A_54 = tpu.memref_squeeze %dma_wait3A_53 : memref<1x128x128xf32, #tpu.memory_space<vmem>> -> memref<128x128xf32, #tpu.memory_space<vmem>>
    %dma_wait3A_55 = arith.constant 0 : i32
    %dma_wait3A_56 = tpu.memref_slice %arg5[%dma_wait3A, %dma_wait3A_55] : memref<200x128xi32, #tpu.memory_space<vmem>> -> memref<1x128xi32, #tpu.memory_space<vmem>>
    %dma_wait3A_57 = tpu.memref_squeeze %dma_wait3A_56 : memref<1x128xi32, #tpu.memory_space<vmem>> -> memref<128xi32, #tpu.memory_space<vmem>>
    %dma_wait3A_58 = arith.constant 0 : i32
    %dma_wait3A_59 = arith.constant 0 : i32
    %dma_wait3A_60 = tpu.memref_slice %arg3[%dma_wait3A_58, %dma_wait3A_59] : memref<1000000x128xf32, #tpu.memory_space<hbm>> -> memref<1000000x128xf32, #tpu.memory_space<hbm>>
    %dma_wait3A_61 = tpu.memref_slice %arg7[%dma_wait3A_50] : memref<4x!tpu.dma_semaphore, #tpu.memory_space<semaphore_mem>> -> memref<1x!tpu.dma_semaphore, #tpu.memory_space<semaphore_mem>>
    %dma_wait3A_62 = tpu.memref_squeeze %dma_wait3A_61 : memref<1x!tpu.dma_semaphore, #tpu.memory_space<semaphore_mem>> -> memref<!tpu.dma_semaphore, #tpu.memory_space<semaphore_mem>>
    tpu.wait_indirect_dma semaphore(%dma_wait3A_62 : memref<!tpu.dma_semaphore, #tpu.memory_space<semaphore_mem>>) src(%dma_wait3A_60 : memref<1000000x128xf32, #tpu.memory_space<hbm>>) dst(%dma_wait3A_54 : memref<128x128xf32, #tpu.memory_space<vmem>>)
    %add3A_63 = arith.constant 0 : i32
    %add3A_64 = arith.addi %mul3A_4, %add3A_63 : i32
    %dma_start3A_65 = arith.constant 0 : i32
    %dma_start3A_66 = arith.constant 0 : i32
    %dma_start3A_67 = arith.constant 0 : i32
    %dma_start3A_68 = arith.constant 0 : i32
    %dma_start3A_69 = tpu.memref_slice %arg6[%dma_start3A_65, %dma_start3A_67, %dma_start3A_68] : memref<4x128x128xf32, #tpu.memory_space<vmem>> -> memref<1x128x128xf32, #tpu.memory_space<vmem>>
    %dma_start3A_70 = tpu.memref_squeeze %dma_start3A_69 : memref<1x128x128xf32, #tpu.memory_space<vmem>> -> memref<128x128xf32, #tpu.memory_space<vmem>>
    %dma_start3A_71 = arith.constant 0 : i32
    %dma_start3A_72 = tpu.memref_slice %arg4[%add3A_64, %dma_start3A_71] : memref<819200x128xf32, #tpu.memory_space<hbm>> -> memref<128x128xf32, #tpu.memory_space<hbm>>
    %dma_start3A_73 = tpu.memref_slice %arg8[%dma_start3A_66] : memref<4x!tpu.dma_semaphore, #tpu.memory_space<semaphore_mem>> -> memref<1x!tpu.dma_semaphore, #tpu.memory_space<semaphore_mem>>
    %dma_start3A_74 = tpu.memref_squeeze %dma_start3A_73 : memref<1x!tpu.dma_semaphore, #tpu.memory_space<semaphore_mem>> -> memref<!tpu.dma_semaphore, #tpu.memory_space<semaphore_mem>>
    %dma_start3A_75 = arith.constant 0 : i32
    %dma_start3A_76 = tpu.memref_slice %arg4[%add3A_64, %dma_start3A_75] : memref<819200x128xf32, #tpu.memory_space<hbm>> -> memref<128x128xf32, #tpu.memory_space<hbm>>
    %dma_start3A_77 = arith.constant 0 : i32
    %dma_start3A_78 = arith.constant 0 : i32
    %dma_start3A_79 = tpu.memref_slice %arg6[%dma_start3A_65, %dma_start3A_77, %dma_start3A_78] : memref<4x128x128xf32, #tpu.memory_space<vmem>> -> memref<1x128x128xf32, #tpu.memory_space<vmem>>
    %dma_start3A_80 = tpu.memref_squeeze %dma_start3A_79 : memref<1x128x128xf32, #tpu.memory_space<vmem>> -> memref<128x128xf32, #tpu.memory_space<vmem>>
    tpu.enqueue_dma source(%dma_start3A_80 : memref<128x128xf32, #tpu.memory_space<vmem>>) target(%dma_start3A_76 : memref<128x128xf32, #tpu.memory_space<hbm>>) target_semaphore(%dma_start3A_74 : memref<!tpu.dma_semaphore, #tpu.memory_space<semaphore_mem>>)
    %dma_start3A_81 = arith.constant 3 : i32
    %dma_start3A_82 = arith.constant 3 : i32
    %dma_start3A_83 = arith.constant 3 : i32
    %dma_start3A_84 = arith.constant 0 : i32
    %dma_start3A_85 = arith.constant 0 : i32
    %dma_start3A_86 = tpu.memref_slice %arg6[%dma_start3A_82, %dma_start3A_84, %dma_start3A_85] : memref<4x128x128xf32, #tpu.memory_space<vmem>> -> memref<1x128x128xf32, #tpu.memory_space<vmem>>
    %dma_start3A_87 = tpu.memref_squeeze %dma_start3A_86 : memref<1x128x128xf32, #tpu.memory_space<vmem>> -> memref<128x128xf32, #tpu.memory_space<vmem>>
    %dma_start3A_88 = arith.constant 0 : i32
    %dma_start3A_89 = tpu.memref_slice %arg5[%dma_start3A_81, %dma_start3A_88] : memref<200x128xi32, #tpu.memory_space<vmem>> -> memref<1x128xi32, #tpu.memory_space<vmem>>
    %dma_start3A_90 = tpu.memref_squeeze %dma_start3A_89 : memref<1x128xi32, #tpu.memory_space<vmem>> -> memref<128xi32, #tpu.memory_space<vmem>>
    %dma_start3A_91 = arith.constant 0 : i32
    %dma_start3A_92 = arith.constant 0 : i32
    %dma_start3A_93 = tpu.memref_slice %arg3[%dma_start3A_91, %dma_start3A_92] : memref<1000000x128xf32, #tpu.memory_space<hbm>> -> memref<1000000x128xf32, #tpu.memory_space<hbm>>
    %dma_start3A_94 = tpu.memref_slice %arg7[%dma_start3A_83] : memref<4x!tpu.dma_semaphore, #tpu.memory_space<semaphore_mem>> -> memref<1x!tpu.dma_semaphore, #tpu.memory_space<semaphore_mem>>
    %dma_start3A_95 = tpu.memref_squeeze %dma_start3A_94 : memref<1x!tpu.dma_semaphore, #tpu.memory_space<semaphore_mem>> -> memref<!tpu.dma_semaphore, #tpu.memory_space<semaphore_mem>>
    tpu.enqueue_indirect_dma source(%dma_start3A_93 : memref<1000000x128xf32, #tpu.memory_space<hbm>>) target(%dma_start3A_87 : memref<128x128xf32, #tpu.memory_space<vmem>>) offsets(%dma_start3A_90 : memref<128xi32, #tpu.memory_space<vmem>>) semaphore(%dma_start3A_95 : memref<!tpu.dma_semaphore, #tpu.memory_space<semaphore_mem>>)
    %dma_wait3A_96 = arith.constant 1 : i32
    %dma_wait3A_97 = arith.constant 1 : i32
    %dma_wait3A_98 = arith.constant 1 : i32
    %dma_wait3A_99 = arith.constant 0 : i32
    %dma_wait3A_100 = arith.constant 0 : i32
    %dma_wait3A_101 = tpu.memref_slice %arg6[%dma_wait3A_97, %dma_wait3A_99, %dma_wait3A_100] : memref<4x128x128xf32, #tpu.memory_space<vmem>> -> memref<1x128x128xf32, #tpu.memory_space<vmem>>
    %dma_wait3A_102 = tpu.memref_squeeze %dma_wait3A_101 : memref<1x128x128xf32, #tpu.memory_space<vmem>> -> memref<128x128xf32, #tpu.memory_space<vmem>>
    %dma_wait3A_103 = arith.constant 0 : i32
    %dma_wait3A_104 = tpu.memref_slice %arg5[%dma_wait3A_96, %dma_wait3A_103] : memref<200x128xi32, #tpu.memory_space<vmem>> -> memref<1x128xi32, #tpu.memory_space<vmem>>
    %dma_wait3A_105 = tpu.memref_squeeze %dma_wait3A_104 : memref<1x128xi32, #tpu.memory_space<vmem>> -> memref<128xi32, #tpu.memory_space<vmem>>
    %dma_wait3A_106 = arith.constant 0 : i32
    %dma_wait3A_107 = arith.constant 0 : i32
    %dma_wait3A_108 = tpu.memref_slice %arg3[%dma_wait3A_106, %dma_wait3A_107] : memref<1000000x128xf32, #tpu.memory_space<hbm>> -> memref<1000000x128xf32, #tpu.memory_space<hbm>>
    %dma_wait3A_109 = tpu.memref_slice %arg7[%dma_wait3A_98] : memref<4x!tpu.dma_semaphore, #tpu.memory_space<semaphore_mem>> -> memref<1x!tpu.dma_semaphore, #tpu.memory_space<semaphore_mem>>
    %dma_wait3A_110 = tpu.memref_squeeze %dma_wait3A_109 : memref<1x!tpu.dma_semaphore, #tpu.memory_space<semaphore_mem>> -> memref<!tpu.dma_semaphore, #tpu.memory_space<semaphore_mem>>
    tpu.wait_indirect_dma semaphore(%dma_wait3A_110 : memref<!tpu.dma_semaphore, #tpu.memory_space<semaphore_mem>>) src(%dma_wait3A_108 : memref<1000000x128xf32, #tpu.memory_space<hbm>>) dst(%dma_wait3A_102 : memref<128x128xf32, #tpu.memory_space<vmem>>)
    %add3A_111 = arith.constant 128 : i32
    %add3A_112 = arith.addi %mul3A_4, %add3A_111 : i32
    %dma_start3A_113 = arith.constant 1 : i32
    %dma_start3A_114 = arith.constant 1 : i32
    %dma_start3A_115 = arith.constant 0 : i32
    %dma_start3A_116 = arith.constant 0 : i32
    %dma_start3A_117 = tpu.memref_slice %arg6[%dma_start3A_113, %dma_start3A_115, %dma_start3A_116] : memref<4x128x128xf32, #tpu.memory_space<vmem>> -> memref<1x128x128xf32, #tpu.memory_space<vmem>>
    %dma_start3A_118 = tpu.memref_squeeze %dma_start3A_117 : memref<1x128x128xf32, #tpu.memory_space<vmem>> -> memref<128x128xf32, #tpu.memory_space<vmem>>
    %dma_start3A_119 = arith.constant 0 : i32
    %dma_start3A_120 = tpu.memref_slice %arg4[%add3A_112, %dma_start3A_119] : memref<819200x128xf32, #tpu.memory_space<hbm>> -> memref<128x128xf32, #tpu.memory_space<hbm>>
    %dma_start3A_121 = tpu.memref_slice %arg8[%dma_start3A_114] : memref<4x!tpu.dma_semaphore, #tpu.memory_space<semaphore_mem>> -> memref<1x!tpu.dma_semaphore, #tpu.memory_space<semaphore_mem>>
    %dma_start3A_122 = tpu.memref_squeeze %dma_start3A_121 : memref<1x!tpu.dma_semaphore, #tpu.memory_space<semaphore_mem>> -> memref<!tpu.dma_semaphore, #tpu.memory_space<semaphore_mem>>
    %dma_start3A_123 = arith.constant 0 : i32
    %dma_start3A_124 = tpu.memref_slice %arg4[%add3A_112, %dma_start3A_123] : memref<819200x128xf32, #tpu.memory_space<hbm>> -> memref<128x128xf32, #tpu.memory_space<hbm>>
    %dma_start3A_125 = arith.constant 0 : i32
    %dma_start3A_126 = arith.constant 0 : i32
    %dma_start3A_127 = tpu.memref_slice %arg6[%dma_start3A_113, %dma_start3A_125, %dma_start3A_126] : memref<4x128x128xf32, #tpu.memory_space<vmem>> -> memref<1x128x128xf32, #tpu.memory_space<vmem>>
    %dma_start3A_128 = tpu.memref_squeeze %dma_start3A_127 : memref<1x128x128xf32, #tpu.memory_space<vmem>> -> memref<128x128xf32, #tpu.memory_space<vmem>>
    tpu.enqueue_dma source(%dma_start3A_128 : memref<128x128xf32, #tpu.memory_space<vmem>>) target(%dma_start3A_124 : memref<128x128xf32, #tpu.memory_space<hbm>>) target_semaphore(%dma_start3A_122 : memref<!tpu.dma_semaphore, #tpu.memory_space<semaphore_mem>>)
    %scan3A = arith.constant 0 : i32
    %scan3A_129 = arith.constant 0 : i32
    %scan3A_130 = arith.constant 49 : i32
    %scan3A_131 = arith.addi %scan3A_129, %scan3A_130 : i32
    %scan3A_132 = arith.constant 1 : i32
    scf.for %scan3A_272 = %scan3A_129 to %scan3A_131 step %scan3A_132  : i32 {
      %mul3A_273 = arith.constant 4 : i32
      %mul3A_274 = arith.muli %scan3A_272, %mul3A_273 : i32
      %add3A_275 = arith.constant 2 : i32
      %add3A_276 = arith.addi %mul3A_274, %add3A_275 : i32
      %add3A_277 = arith.constant 0 : i32
      %add3A_278 = arith.addi %add3A_276, %add3A_277 : i32
      %sub3A = arith.constant 2 : i32
      %sub3A_279 = arith.subi %add3A_278, %sub3A : i32
      %mul3A_280 = arith.constant 128 : i32
      %mul3A_281 = arith.muli %sub3A_279, %mul3A_280 : i32
      %add3A_282 = arith.addi %mul3A_4, %mul3A_281 : i32
      %dma_wait3A_283 = arith.constant 0 : i32
      %dma_wait3A_284 = arith.constant 0 : i32
      %dma_wait3A_285 = arith.constant 0 : i32
      %dma_wait3A_286 = arith.constant 0 : i32
      %dma_wait3A_287 = tpu.memref_slice %arg6[%dma_wait3A_283, %dma_wait3A_285, %dma_wait3A_286] : memref<4x128x128xf32, #tpu.memory_space<vmem>> -> memref<1x128x128xf32, #tpu.memory_space<vmem>>
      %dma_wait3A_288 = tpu.memref_squeeze %dma_wait3A_287 : memref<1x128x128xf32, #tpu.memory_space<vmem>> -> memref<128x128xf32, #tpu.memory_space<vmem>>
      %dma_wait3A_289 = arith.constant 0 : i32
      %dma_wait3A_290 = tpu.memref_slice %arg4[%add3A_282, %dma_wait3A_289] : memref<819200x128xf32, #tpu.memory_space<hbm>> -> memref<128x128xf32, #tpu.memory_space<hbm>>
      %dma_wait3A_291 = tpu.memref_slice %arg8[%dma_wait3A_284] : memref<4x!tpu.dma_semaphore, #tpu.memory_space<semaphore_mem>> -> memref<1x!tpu.dma_semaphore, #tpu.memory_space<semaphore_mem>>
      %dma_wait3A_292 = tpu.memref_squeeze %dma_wait3A_291 : memref<1x!tpu.dma_semaphore, #tpu.memory_space<semaphore_mem>> -> memref<!tpu.dma_semaphore, #tpu.memory_space<semaphore_mem>>
      %dma_wait3A_293 = arith.constant 0 : i32
      %dma_wait3A_294 = tpu.memref_slice %arg4[%add3A_282, %dma_wait3A_293] : memref<819200x128xf32, #tpu.memory_space<hbm>> -> memref<128x128xf32, #tpu.memory_space<hbm>>
      %dma_wait3A_295 = arith.constant 0 : i32
      %dma_wait3A_296 = arith.constant 0 : i32
      %dma_wait3A_297 = tpu.memref_slice %arg6[%dma_wait3A_283, %dma_wait3A_295, %dma_wait3A_296] : memref<4x128x128xf32, #tpu.memory_space<vmem>> -> memref<1x128x128xf32, #tpu.memory_space<vmem>>
      %dma_wait3A_298 = tpu.memref_squeeze %dma_wait3A_297 : memref<1x128x128xf32, #tpu.memory_space<vmem>> -> memref<128x128xf32, #tpu.memory_space<vmem>>
      tpu.wait_dma2 semaphore(%dma_wait3A_292 : memref<!tpu.dma_semaphore, #tpu.memory_space<semaphore_mem>>) src(%dma_wait3A_298 : memref<128x128xf32, #tpu.memory_space<vmem>>) dst(%dma_wait3A_294 : memref<128x128xf32, #tpu.memory_space<hbm>>)
      %add3A_299 = arith.constant 2 : i32
      %add3A_300 = arith.addi %add3A_278, %add3A_299 : i32
      %dma_start3A_301 = arith.constant 0 : i32
      %dma_start3A_302 = arith.constant 0 : i32
      %dma_start3A_303 = arith.constant 0 : i32
      %dma_start3A_304 = arith.constant 0 : i32
      %dma_start3A_305 = tpu.memref_slice %arg6[%dma_start3A_301, %dma_start3A_303, %dma_start3A_304] : memref<4x128x128xf32, #tpu.memory_space<vmem>> -> memref<1x128x128xf32, #tpu.memory_space<vmem>>
      %dma_start3A_306 = tpu.memref_squeeze %dma_start3A_305 : memref<1x128x128xf32, #tpu.memory_space<vmem>> -> memref<128x128xf32, #tpu.memory_space<vmem>>
      %dma_start3A_307 = arith.constant 0 : i32
      %dma_start3A_308 = tpu.memref_slice %arg5[%add3A_300, %dma_start3A_307] : memref<200x128xi32, #tpu.memory_space<vmem>> -> memref<1x128xi32, #tpu.memory_space<vmem>>
      %dma_start3A_309 = tpu.memref_squeeze %dma_start3A_308 : memref<1x128xi32, #tpu.memory_space<vmem>> -> memref<128xi32, #tpu.memory_space<vmem>>
      %dma_start3A_310 = arith.constant 0 : i32
      %dma_start3A_311 = arith.constant 0 : i32
      %dma_start3A_312 = tpu.memref_slice %arg3[%dma_start3A_310, %dma_start3A_311] : memref<1000000x128xf32, #tpu.memory_space<hbm>> -> memref<1000000x128xf32, #tpu.memory_space<hbm>>
      %dma_start3A_313 = tpu.memref_slice %arg7[%dma_start3A_302] : memref<4x!tpu.dma_semaphore, #tpu.memory_space<semaphore_mem>> -> memref<1x!tpu.dma_semaphore, #tpu.memory_space<semaphore_mem>>
      %dma_start3A_314 = tpu.memref_squeeze %dma_start3A_313 : memref<1x!tpu.dma_semaphore, #tpu.memory_space<semaphore_mem>> -> memref<!tpu.dma_semaphore, #tpu.memory_space<semaphore_mem>>
      tpu.enqueue_indirect_dma source(%dma_start3A_312 : memref<1000000x128xf32, #tpu.memory_space<hbm>>) target(%dma_start3A_306 : memref<128x128xf32, #tpu.memory_space<vmem>>) offsets(%dma_start3A_309 : memref<128xi32, #tpu.memory_space<vmem>>) semaphore(%dma_start3A_314 : memref<!tpu.dma_semaphore, #tpu.memory_space<semaphore_mem>>)
      %dma_wait3A_315 = arith.constant 2 : i32
      %dma_wait3A_316 = arith.constant 2 : i32
      %dma_wait3A_317 = arith.constant 0 : i32
      %dma_wait3A_318 = arith.constant 0 : i32
      %dma_wait3A_319 = tpu.memref_slice %arg6[%dma_wait3A_315, %dma_wait3A_317, %dma_wait3A_318] : memref<4x128x128xf32, #tpu.memory_space<vmem>> -> memref<1x128x128xf32, #tpu.memory_space<vmem>>
      %dma_wait3A_320 = tpu.memref_squeeze %dma_wait3A_319 : memref<1x128x128xf32, #tpu.memory_space<vmem>> -> memref<128x128xf32, #tpu.memory_space<vmem>>
      %dma_wait3A_321 = arith.constant 0 : i32
      %dma_wait3A_322 = tpu.memref_slice %arg5[%add3A_278, %dma_wait3A_321] : memref<200x128xi32, #tpu.memory_space<vmem>> -> memref<1x128xi32, #tpu.memory_space<vmem>>
      %dma_wait3A_323 = tpu.memref_squeeze %dma_wait3A_322 : memref<1x128xi32, #tpu.memory_space<vmem>> -> memref<128xi32, #tpu.memory_space<vmem>>
      %dma_wait3A_324 = arith.constant 0 : i32
      %dma_wait3A_325 = arith.constant 0 : i32
      %dma_wait3A_326 = tpu.memref_slice %arg3[%dma_wait3A_324, %dma_wait3A_325] : memref<1000000x128xf32, #tpu.memory_space<hbm>> -> memref<1000000x128xf32, #tpu.memory_space<hbm>>
      %dma_wait3A_327 = tpu.memref_slice %arg7[%dma_wait3A_316] : memref<4x!tpu.dma_semaphore, #tpu.memory_space<semaphore_mem>> -> memref<1x!tpu.dma_semaphore, #tpu.memory_space<semaphore_mem>>
      %dma_wait3A_328 = tpu.memref_squeeze %dma_wait3A_327 : memref<1x!tpu.dma_semaphore, #tpu.memory_space<semaphore_mem>> -> memref<!tpu.dma_semaphore, #tpu.memory_space<semaphore_mem>>
      tpu.wait_indirect_dma semaphore(%dma_wait3A_328 : memref<!tpu.dma_semaphore, #tpu.memory_space<semaphore_mem>>) src(%dma_wait3A_326 : memref<1000000x128xf32, #tpu.memory_space<hbm>>) dst(%dma_wait3A_320 : memref<128x128xf32, #tpu.memory_space<vmem>>)
      %mul3A_329 = arith.constant 128 : i32
      %mul3A_330 = arith.muli %add3A_278, %mul3A_329 : i32
      %add3A_331 = arith.addi %mul3A_4, %mul3A_330 : i32
      %dma_start3A_332 = arith.constant 2 : i32
      %dma_start3A_333 = arith.constant 2 : i32
      %dma_start3A_334 = arith.constant 0 : i32
      %dma_start3A_335 = arith.constant 0 : i32
      %dma_start3A_336 = tpu.memref_slice %arg6[%dma_start3A_332, %dma_start3A_334, %dma_start3A_335] : memref<4x128x128xf32, #tpu.memory_space<vmem>> -> memref<1x128x128xf32, #tpu.memory_space<vmem>>
      %dma_start3A_337 = tpu.memref_squeeze %dma_start3A_336 : memref<1x128x128xf32, #tpu.memory_space<vmem>> -> memref<128x128xf32, #tpu.memory_space<vmem>>
      %dma_start3A_338 = arith.constant 0 : i32
      %dma_start3A_339 = tpu.memref_slice %arg4[%add3A_331, %dma_start3A_338] : memref<819200x128xf32, #tpu.memory_space<hbm>> -> memref<128x128xf32, #tpu.memory_space<hbm>>
      %dma_start3A_340 = tpu.memref_slice %arg8[%dma_start3A_333] : memref<4x!tpu.dma_semaphore, #tpu.memory_space<semaphore_mem>> -> memref<1x!tpu.dma_semaphore, #tpu.memory_space<semaphore_mem>>
      %dma_start3A_341 = tpu.memref_squeeze %dma_start3A_340 : memref<1x!tpu.dma_semaphore, #tpu.memory_space<semaphore_mem>> -> memref<!tpu.dma_semaphore, #tpu.memory_space<semaphore_mem>>
      %dma_start3A_342 = arith.constant 0 : i32
      %dma_start3A_343 = tpu.memref_slice %arg4[%add3A_331, %dma_start3A_342] : memref<819200x128xf32, #tpu.memory_space<hbm>> -> memref<128x128xf32, #tpu.memory_space<hbm>>
      %dma_start3A_344 = arith.constant 0 : i32
      %dma_start3A_345 = arith.constant 0 : i32
      %dma_start3A_346 = tpu.memref_slice %arg6[%dma_start3A_332, %dma_start3A_344, %dma_start3A_345] : memref<4x128x128xf32, #tpu.memory_space<vmem>> -> memref<1x128x128xf32, #tpu.memory_space<vmem>>
      %dma_start3A_347 = tpu.memref_squeeze %dma_start3A_346 : memref<1x128x128xf32, #tpu.memory_space<vmem>> -> memref<128x128xf32, #tpu.memory_space<vmem>>
      tpu.enqueue_dma source(%dma_start3A_347 : memref<128x128xf32, #tpu.memory_space<vmem>>) target(%dma_start3A_343 : memref<128x128xf32, #tpu.memory_space<hbm>>) target_semaphore(%dma_start3A_341 : memref<!tpu.dma_semaphore, #tpu.memory_space<semaphore_mem>>)
      %add3A_348 = arith.constant 1 : i32
      %add3A_349 = arith.addi %add3A_276, %add3A_348 : i32
      %sub3A_350 = arith.constant 2 : i32
      %sub3A_351 = arith.subi %add3A_349, %sub3A_350 : i32
      %mul3A_352 = arith.constant 128 : i32
      %mul3A_353 = arith.muli %sub3A_351, %mul3A_352 : i32
      %add3A_354 = arith.addi %mul3A_4, %mul3A_353 : i32
      %dma_wait3A_355 = arith.constant 1 : i32
      %dma_wait3A_356 = arith.constant 1 : i32
      %dma_wait3A_357 = arith.constant 0 : i32
      %dma_wait3A_358 = arith.constant 0 : i32
      %dma_wait3A_359 = tpu.memref_slice %arg6[%dma_wait3A_355, %dma_wait3A_357, %dma_wait3A_358] : memref<4x128x128xf32, #tpu.memory_space<vmem>> -> memref<1x128x128xf32, #tpu.memory_space<vmem>>
      %dma_wait3A_360 = tpu.memref_squeeze %dma_wait3A_359 : memref<1x128x128xf32, #tpu.memory_space<vmem>> -> memref<128x128xf32, #tpu.memory_space<vmem>>
      %dma_wait3A_361 = arith.constant 0 : i32
      %dma_wait3A_362 = tpu.memref_slice %arg4[%add3A_354, %dma_wait3A_361] : memref<819200x128xf32, #tpu.memory_space<hbm>> -> memref<128x128xf32, #tpu.memory_space<hbm>>
      %dma_wait3A_363 = tpu.memref_slice %arg8[%dma_wait3A_356] : memref<4x!tpu.dma_semaphore, #tpu.memory_space<semaphore_mem>> -> memref<1x!tpu.dma_semaphore, #tpu.memory_space<semaphore_mem>>
      %dma_wait3A_364 = tpu.memref_squeeze %dma_wait3A_363 : memref<1x!tpu.dma_semaphore, #tpu.memory_space<semaphore_mem>> -> memref<!tpu.dma_semaphore, #tpu.memory_space<semaphore_mem>>
      %dma_wait3A_365 = arith.constant 0 : i32
      %dma_wait3A_366 = tpu.memref_slice %arg4[%add3A_354, %dma_wait3A_365] : memref<819200x128xf32, #tpu.memory_space<hbm>> -> memref<128x128xf32, #tpu.memory_space<hbm>>
      %dma_wait3A_367 = arith.constant 0 : i32
      %dma_wait3A_368 = arith.constant 0 : i32
      %dma_wait3A_369 = tpu.memref_slice %arg6[%dma_wait3A_355, %dma_wait3A_367, %dma_wait3A_368] : memref<4x128x128xf32, #tpu.memory_space<vmem>> -> memref<1x128x128xf32, #tpu.memory_space<vmem>>
      %dma_wait3A_370 = tpu.memref_squeeze %dma_wait3A_369 : memref<1x128x128xf32, #tpu.memory_space<vmem>> -> memref<128x128xf32, #tpu.memory_space<vmem>>
      tpu.wait_dma2 semaphore(%dma_wait3A_364 : memref<!tpu.dma_semaphore, #tpu.memory_space<semaphore_mem>>) src(%dma_wait3A_370 : memref<128x128xf32, #tpu.memory_space<vmem>>) dst(%dma_wait3A_366 : memref<128x128xf32, #tpu.memory_space<hbm>>)
      %add3A_371 = arith.constant 2 : i32
      %add3A_372 = arith.addi %add3A_349, %add3A_371 : i32
      %dma_start3A_373 = arith.constant 1 : i32
      %dma_start3A_374 = arith.constant 1 : i32
      %dma_start3A_375 = arith.constant 0 : i32
      %dma_start3A_376 = arith.constant 0 : i32
      %dma_start3A_377 = tpu.memref_slice %arg6[%dma_start3A_373, %dma_start3A_375, %dma_start3A_376] : memref<4x128x128xf32, #tpu.memory_space<vmem>> -> memref<1x128x128xf32, #tpu.memory_space<vmem>>
      %dma_start3A_378 = tpu.memref_squeeze %dma_start3A_377 : memref<1x128x128xf32, #tpu.memory_space<vmem>> -> memref<128x128xf32, #tpu.memory_space<vmem>>
      %dma_start3A_379 = arith.constant 0 : i32
      %dma_start3A_380 = tpu.memref_slice %arg5[%add3A_372, %dma_start3A_379] : memref<200x128xi32, #tpu.memory_space<vmem>> -> memref<1x128xi32, #tpu.memory_space<vmem>>
      %dma_start3A_381 = tpu.memref_squeeze %dma_start3A_380 : memref<1x128xi32, #tpu.memory_space<vmem>> -> memref<128xi32, #tpu.memory_space<vmem>>
      %dma_start3A_382 = arith.constant 0 : i32
      %dma_start3A_383 = arith.constant 0 : i32
      %dma_start3A_384 = tpu.memref_slice %arg3[%dma_start3A_382, %dma_start3A_383] : memref<1000000x128xf32, #tpu.memory_space<hbm>> -> memref<1000000x128xf32, #tpu.memory_space<hbm>>
      %dma_start3A_385 = tpu.memref_slice %arg7[%dma_start3A_374] : memref<4x!tpu.dma_semaphore, #tpu.memory_space<semaphore_mem>> -> memref<1x!tpu.dma_semaphore, #tpu.memory_space<semaphore_mem>>
      %dma_start3A_386 = tpu.memref_squeeze %dma_start3A_385 : memref<1x!tpu.dma_semaphore, #tpu.memory_space<semaphore_mem>> -> memref<!tpu.dma_semaphore, #tpu.memory_space<semaphore_mem>>
      tpu.enqueue_indirect_dma source(%dma_start3A_384 : memref<1000000x128xf32, #tpu.memory_space<hbm>>) target(%dma_start3A_378 : memref<128x128xf32, #tpu.memory_space<vmem>>) offsets(%dma_start3A_381 : memref<128xi32, #tpu.memory_space<vmem>>) semaphore(%dma_start3A_386 : memref<!tpu.dma_semaphore, #tpu.memory_space<semaphore_mem>>)
      %dma_wait3A_387 = arith.constant 3 : i32
      %dma_wait3A_388 = arith.constant 3 : i32
      %dma_wait3A_389 = arith.constant 0 : i32
      %dma_wait3A_390 = arith.constant 0 : i32
      %dma_wait3A_391 = tpu.memref_slice %arg6[%dma_wait3A_387, %dma_wait3A_389, %dma_wait3A_390] : memref<4x128x128xf32, #tpu.memory_space<vmem>> -> memref<1x128x128xf32, #tpu.memory_space<vmem>>
      %dma_wait3A_392 = tpu.memref_squeeze %dma_wait3A_391 : memref<1x128x128xf32, #tpu.memory_space<vmem>> -> memref<128x128xf32, #tpu.memory_space<vmem>>
      %dma_wait3A_393 = arith.constant 0 : i32
      %dma_wait3A_394 = tpu.memref_slice %arg5[%add3A_349, %dma_wait3A_393] : memref<200x128xi32, #tpu.memory_space<vmem>> -> memref<1x128xi32, #tpu.memory_space<vmem>>
      %dma_wait3A_395 = tpu.memref_squeeze %dma_wait3A_394 : memref<1x128xi32, #tpu.memory_space<vmem>> -> memref<128xi32, #tpu.memory_space<vmem>>
      %dma_wait3A_396 = arith.constant 0 : i32
      %dma_wait3A_397 = arith.constant 0 : i32
      %dma_wait3A_398 = tpu.memref_slice %arg3[%dma_wait3A_396, %dma_wait3A_397] : memref<1000000x128xf32, #tpu.memory_space<hbm>> -> memref<1000000x128xf32, #tpu.memory_space<hbm>>
      %dma_wait3A_399 = tpu.memref_slice %arg7[%dma_wait3A_388] : memref<4x!tpu.dma_semaphore, #tpu.memory_space<semaphore_mem>> -> memref<1x!tpu.dma_semaphore, #tpu.memory_space<semaphore_mem>>
      %dma_wait3A_400 = tpu.memref_squeeze %dma_wait3A_399 : memref<1x!tpu.dma_semaphore, #tpu.memory_space<semaphore_mem>> -> memref<!tpu.dma_semaphore, #tpu.memory_space<semaphore_mem>>
      tpu.wait_indirect_dma semaphore(%dma_wait3A_400 : memref<!tpu.dma_semaphore, #tpu.memory_space<semaphore_mem>>) src(%dma_wait3A_398 : memref<1000000x128xf32, #tpu.memory_space<hbm>>) dst(%dma_wait3A_392 : memref<128x128xf32, #tpu.memory_space<vmem>>)
      %mul3A_401 = arith.constant 128 : i32
      %mul3A_402 = arith.muli %add3A_349, %mul3A_401 : i32
      %add3A_403 = arith.addi %mul3A_4, %mul3A_402 : i32
      %dma_start3A_404 = arith.constant 3 : i32
      %dma_start3A_405 = arith.constant 3 : i32
      %dma_start3A_406 = arith.constant 0 : i32
      %dma_start3A_407 = arith.constant 0 : i32
      %dma_start3A_408 = tpu.memref_slice %arg6[%dma_start3A_404, %dma_start3A_406, %dma_start3A_407] : memref<4x128x128xf32, #tpu.memory_space<vmem>> -> memref<1x128x128xf32, #tpu.memory_space<vmem>>
      %dma_start3A_409 = tpu.memref_squeeze %dma_start3A_408 : memref<1x128x128xf32, #tpu.memory_space<vmem>> -> memref<128x128xf32, #tpu.memory_space<vmem>>
      %dma_start3A_410 = arith.constant 0 : i32
      %dma_start3A_411 = tpu.memref_slice %arg4[%add3A_403, %dma_start3A_410] : memref<819200x128xf32, #tpu.memory_space<hbm>> -> memref<128x128xf32, #tpu.memory_space<hbm>>
      %dma_start3A_412 = tpu.memref_slice %arg8[%dma_start3A_405] : memref<4x!tpu.dma_semaphore, #tpu.memory_space<semaphore_mem>> -> memref<1x!tpu.dma_semaphore, #tpu.memory_space<semaphore_mem>>
      %dma_start3A_413 = tpu.memref_squeeze %dma_start3A_412 : memref<1x!tpu.dma_semaphore, #tpu.memory_space<semaphore_mem>> -> memref<!tpu.dma_semaphore, #tpu.memory_space<semaphore_mem>>
      %dma_start3A_414 = arith.constant 0 : i32
      %dma_start3A_415 = tpu.memref_slice %arg4[%add3A_403, %dma_start3A_414] : memref<819200x128xf32, #tpu.memory_space<hbm>> -> memref<128x128xf32, #tpu.memory_space<hbm>>
      %dma_start3A_416 = arith.constant 0 : i32
      %dma_start3A_417 = arith.constant 0 : i32
      %dma_start3A_418 = tpu.memref_slice %arg6[%dma_start3A_404, %dma_start3A_416, %dma_start3A_417] : memref<4x128x128xf32, #tpu.memory_space<vmem>> -> memref<1x128x128xf32, #tpu.memory_space<vmem>>
      %dma_start3A_419 = tpu.memref_squeeze %dma_start3A_418 : memref<1x128x128xf32, #tpu.memory_space<vmem>> -> memref<128x128xf32, #tpu.memory_space<vmem>>
      tpu.enqueue_dma source(%dma_start3A_419 : memref<128x128xf32, #tpu.memory_space<vmem>>) target(%dma_start3A_415 : memref<128x128xf32, #tpu.memory_space<hbm>>) target_semaphore(%dma_start3A_413 : memref<!tpu.dma_semaphore, #tpu.memory_space<semaphore_mem>>)
      %add3A_420 = arith.constant 2 : i32
      %add3A_421 = arith.addi %add3A_276, %add3A_420 : i32
      %sub3A_422 = arith.constant 2 : i32
      %sub3A_423 = arith.subi %add3A_421, %sub3A_422 : i32
      %mul3A_424 = arith.constant 128 : i32
      %mul3A_425 = arith.muli %sub3A_423, %mul3A_424 : i32
      %add3A_426 = arith.addi %mul3A_4, %mul3A_425 : i32
      %dma_wait3A_427 = arith.constant 2 : i32
      %dma_wait3A_428 = arith.constant 2 : i32
      %dma_wait3A_429 = arith.constant 0 : i32
      %dma_wait3A_430 = arith.constant 0 : i32
      %dma_wait3A_431 = tpu.memref_slice %arg6[%dma_wait3A_427, %dma_wait3A_429, %dma_wait3A_430] : memref<4x128x128xf32, #tpu.memory_space<vmem>> -> memref<1x128x128xf32, #tpu.memory_space<vmem>>
      %dma_wait3A_432 = tpu.memref_squeeze %dma_wait3A_431 : memref<1x128x128xf32, #tpu.memory_space<vmem>> -> memref<128x128xf32, #tpu.memory_space<vmem>>
      %dma_wait3A_433 = arith.constant 0 : i32
      %dma_wait3A_434 = tpu.memref_slice %arg4[%add3A_426, %dma_wait3A_433] : memref<819200x128xf32, #tpu.memory_space<hbm>> -> memref<128x128xf32, #tpu.memory_space<hbm>>
      %dma_wait3A_435 = tpu.memref_slice %arg8[%dma_wait3A_428] : memref<4x!tpu.dma_semaphore, #tpu.memory_space<semaphore_mem>> -> memref<1x!tpu.dma_semaphore, #tpu.memory_space<semaphore_mem>>
      %dma_wait3A_436 = tpu.memref_squeeze %dma_wait3A_435 : memref<1x!tpu.dma_semaphore, #tpu.memory_space<semaphore_mem>> -> memref<!tpu.dma_semaphore, #tpu.memory_space<semaphore_mem>>
      %dma_wait3A_437 = arith.constant 0 : i32
      %dma_wait3A_438 = tpu.memref_slice %arg4[%add3A_426, %dma_wait3A_437] : memref<819200x128xf32, #tpu.memory_space<hbm>> -> memref<128x128xf32, #tpu.memory_space<hbm>>
      %dma_wait3A_439 = arith.constant 0 : i32
      %dma_wait3A_440 = arith.constant 0 : i32
      %dma_wait3A_441 = tpu.memref_slice %arg6[%dma_wait3A_427, %dma_wait3A_439, %dma_wait3A_440] : memref<4x128x128xf32, #tpu.memory_space<vmem>> -> memref<1x128x128xf32, #tpu.memory_space<vmem>>
      %dma_wait3A_442 = tpu.memref_squeeze %dma_wait3A_441 : memref<1x128x128xf32, #tpu.memory_space<vmem>> -> memref<128x128xf32, #tpu.memory_space<vmem>>
      tpu.wait_dma2 semaphore(%dma_wait3A_436 : memref<!tpu.dma_semaphore, #tpu.memory_space<semaphore_mem>>) src(%dma_wait3A_442 : memref<128x128xf32, #tpu.memory_space<vmem>>) dst(%dma_wait3A_438 : memref<128x128xf32, #tpu.memory_space<hbm>>)
      %add3A_443 = arith.constant 2 : i32
      %add3A_444 = arith.addi %add3A_421, %add3A_443 : i32
      %dma_start3A_445 = arith.constant 2 : i32
      %dma_start3A_446 = arith.constant 2 : i32
      %dma_start3A_447 = arith.constant 0 : i32
      %dma_start3A_448 = arith.constant 0 : i32
      %dma_start3A_449 = tpu.memref_slice %arg6[%dma_start3A_445, %dma_start3A_447, %dma_start3A_448] : memref<4x128x128xf32, #tpu.memory_space<vmem>> -> memref<1x128x128xf32, #tpu.memory_space<vmem>>
      %dma_start3A_450 = tpu.memref_squeeze %dma_start3A_449 : memref<1x128x128xf32, #tpu.memory_space<vmem>> -> memref<128x128xf32, #tpu.memory_space<vmem>>
      %dma_start3A_451 = arith.constant 0 : i32
      %dma_start3A_452 = tpu.memref_slice %arg5[%add3A_444, %dma_start3A_451] : memref<200x128xi32, #tpu.memory_space<vmem>> -> memref<1x128xi32, #tpu.memory_space<vmem>>
      %dma_start3A_453 = tpu.memref_squeeze %dma_start3A_452 : memref<1x128xi32, #tpu.memory_space<vmem>> -> memref<128xi32, #tpu.memory_space<vmem>>
      %dma_start3A_454 = arith.constant 0 : i32
      %dma_start3A_455 = arith.constant 0 : i32
      %dma_start3A_456 = tpu.memref_slice %arg3[%dma_start3A_454, %dma_start3A_455] : memref<1000000x128xf32, #tpu.memory_space<hbm>> -> memref<1000000x128xf32, #tpu.memory_space<hbm>>
      %dma_start3A_457 = tpu.memref_slice %arg7[%dma_start3A_446] : memref<4x!tpu.dma_semaphore, #tpu.memory_space<semaphore_mem>> -> memref<1x!tpu.dma_semaphore, #tpu.memory_space<semaphore_mem>>
      %dma_start3A_458 = tpu.memref_squeeze %dma_start3A_457 : memref<1x!tpu.dma_semaphore, #tpu.memory_space<semaphore_mem>> -> memref<!tpu.dma_semaphore, #tpu.memory_space<semaphore_mem>>
      tpu.enqueue_indirect_dma source(%dma_start3A_456 : memref<1000000x128xf32, #tpu.memory_space<hbm>>) target(%dma_start3A_450 : memref<128x128xf32, #tpu.memory_space<vmem>>) offsets(%dma_start3A_453 : memref<128xi32, #tpu.memory_space<vmem>>) semaphore(%dma_start3A_458 : memref<!tpu.dma_semaphore, #tpu.memory_space<semaphore_mem>>)
      %dma_wait3A_459 = arith.constant 0 : i32
      %dma_wait3A_460 = arith.constant 0 : i32
      %dma_wait3A_461 = arith.constant 0 : i32
      %dma_wait3A_462 = arith.constant 0 : i32
      %dma_wait3A_463 = tpu.memref_slice %arg6[%dma_wait3A_459, %dma_wait3A_461, %dma_wait3A_462] : memref<4x128x128xf32, #tpu.memory_space<vmem>> -> memref<1x128x128xf32, #tpu.memory_space<vmem>>
      %dma_wait3A_464 = tpu.memref_squeeze %dma_wait3A_463 : memref<1x128x128xf32, #tpu.memory_space<vmem>> -> memref<128x128xf32, #tpu.memory_space<vmem>>
      %dma_wait3A_465 = arith.constant 0 : i32
      %dma_wait3A_466 = tpu.memref_slice %arg5[%add3A_421, %dma_wait3A_465] : memref<200x128xi32, #tpu.memory_space<vmem>> -> memref<1x128xi32, #tpu.memory_space<vmem>>
      %dma_wait3A_467 = tpu.memref_squeeze %dma_wait3A_466 : memref<1x128xi32, #tpu.memory_space<vmem>> -> memref<128xi32, #tpu.memory_space<vmem>>
      %dma_wait3A_468 = arith.constant 0 : i32
      %dma_wait3A_469 = arith.constant 0 : i32
      %dma_wait3A_470 = tpu.memref_slice %arg3[%dma_wait3A_468, %dma_wait3A_469] : memref<1000000x128xf32, #tpu.memory_space<hbm>> -> memref<1000000x128xf32, #tpu.memory_space<hbm>>
      %dma_wait3A_471 = tpu.memref_slice %arg7[%dma_wait3A_460] : memref<4x!tpu.dma_semaphore, #tpu.memory_space<semaphore_mem>> -> memref<1x!tpu.dma_semaphore, #tpu.memory_space<semaphore_mem>>
      %dma_wait3A_472 = tpu.memref_squeeze %dma_wait3A_471 : memref<1x!tpu.dma_semaphore, #tpu.memory_space<semaphore_mem>> -> memref<!tpu.dma_semaphore, #tpu.memory_space<semaphore_mem>>
      tpu.wait_indirect_dma semaphore(%dma_wait3A_472 : memref<!tpu.dma_semaphore, #tpu.memory_space<semaphore_mem>>) src(%dma_wait3A_470 : memref<1000000x128xf32, #tpu.memory_space<hbm>>) dst(%dma_wait3A_464 : memref<128x128xf32, #tpu.memory_space<vmem>>)
      %mul3A_473 = arith.constant 128 : i32
      %mul3A_474 = arith.muli %add3A_421, %mul3A_473 : i32
      %add3A_475 = arith.addi %mul3A_4, %mul3A_474 : i32
      %dma_start3A_476 = arith.constant 0 : i32
      %dma_start3A_477 = arith.constant 0 : i32
      %dma_start3A_478 = arith.constant 0 : i32
      %dma_start3A_479 = arith.constant 0 : i32
      %dma_start3A_480 = tpu.memref_slice %arg6[%dma_start3A_476, %dma_start3A_478, %dma_start3A_479] : memref<4x128x128xf32, #tpu.memory_space<vmem>> -> memref<1x128x128xf32, #tpu.memory_space<vmem>>
      %dma_start3A_481 = tpu.memref_squeeze %dma_start3A_480 : memref<1x128x128xf32, #tpu.memory_space<vmem>> -> memref<128x128xf32, #tpu.memory_space<vmem>>
      %dma_start3A_482 = arith.constant 0 : i32
      %dma_start3A_483 = tpu.memref_slice %arg4[%add3A_475, %dma_start3A_482] : memref<819200x128xf32, #tpu.memory_space<hbm>> -> memref<128x128xf32, #tpu.memory_space<hbm>>
      %dma_start3A_484 = tpu.memref_slice %arg8[%dma_start3A_477] : memref<4x!tpu.dma_semaphore, #tpu.memory_space<semaphore_mem>> -> memref<1x!tpu.dma_semaphore, #tpu.memory_space<semaphore_mem>>
      %dma_start3A_485 = tpu.memref_squeeze %dma_start3A_484 : memref<1x!tpu.dma_semaphore, #tpu.memory_space<semaphore_mem>> -> memref<!tpu.dma_semaphore, #tpu.memory_space<semaphore_mem>>
      %dma_start3A_486 = arith.constant 0 : i32
      %dma_start3A_487 = tpu.memref_slice %arg4[%add3A_475, %dma_start3A_486] : memref<819200x128xf32, #tpu.memory_space<hbm>> -> memref<128x128xf32, #tpu.memory_space<hbm>>
      %dma_start3A_488 = arith.constant 0 : i32
      %dma_start3A_489 = arith.constant 0 : i32
      %dma_start3A_490 = tpu.memref_slice %arg6[%dma_start3A_476, %dma_start3A_488, %dma_start3A_489] : memref<4x128x128xf32, #tpu.memory_space<vmem>> -> memref<1x128x128xf32, #tpu.memory_space<vmem>>
      %dma_start3A_491 = tpu.memref_squeeze %dma_start3A_490 : memref<1x128x128xf32, #tpu.memory_space<vmem>> -> memref<128x128xf32, #tpu.memory_space<vmem>>
      tpu.enqueue_dma source(%dma_start3A_491 : memref<128x128xf32, #tpu.memory_space<vmem>>) target(%dma_start3A_487 : memref<128x128xf32, #tpu.memory_space<hbm>>) target_semaphore(%dma_start3A_485 : memref<!tpu.dma_semaphore, #tpu.memory_space<semaphore_mem>>)
      %add3A_492 = arith.constant 3 : i32
      %add3A_493 = arith.addi %add3A_276, %add3A_492 : i32
      %sub3A_494 = arith.constant 2 : i32
      %sub3A_495 = arith.subi %add3A_493, %sub3A_494 : i32
      %mul3A_496 = arith.constant 128 : i32
      %mul3A_497 = arith.muli %sub3A_495, %mul3A_496 : i32
      %add3A_498 = arith.addi %mul3A_4, %mul3A_497 : i32
      %dma_wait3A_499 = arith.constant 3 : i32
      %dma_wait3A_500 = arith.constant 3 : i32
      %dma_wait3A_501 = arith.constant 0 : i32
      %dma_wait3A_502 = arith.constant 0 : i32
      %dma_wait3A_503 = tpu.memref_slice %arg6[%dma_wait3A_499, %dma_wait3A_501, %dma_wait3A_502] : memref<4x128x128xf32, #tpu.memory_space<vmem>> -> memref<1x128x128xf32, #tpu.memory_space<vmem>>
      %dma_wait3A_504 = tpu.memref_squeeze %dma_wait3A_503 : memref<1x128x128xf32, #tpu.memory_space<vmem>> -> memref<128x128xf32, #tpu.memory_space<vmem>>
      %dma_wait3A_505 = arith.constant 0 : i32
      %dma_wait3A_506 = tpu.memref_slice %arg4[%add3A_498, %dma_wait3A_505] : memref<819200x128xf32, #tpu.memory_space<hbm>> -> memref<128x128xf32, #tpu.memory_space<hbm>>
      %dma_wait3A_507 = tpu.memref_slice %arg8[%dma_wait3A_500] : memref<4x!tpu.dma_semaphore, #tpu.memory_space<semaphore_mem>> -> memref<1x!tpu.dma_semaphore, #tpu.memory_space<semaphore_mem>>
      %dma_wait3A_508 = tpu.memref_squeeze %dma_wait3A_507 : memref<1x!tpu.dma_semaphore, #tpu.memory_space<semaphore_mem>> -> memref<!tpu.dma_semaphore, #tpu.memory_space<semaphore_mem>>
      %dma_wait3A_509 = arith.constant 0 : i32
      %dma_wait3A_510 = tpu.memref_slice %arg4[%add3A_498, %dma_wait3A_509] : memref<819200x128xf32, #tpu.memory_space<hbm>> -> memref<128x128xf32, #tpu.memory_space<hbm>>
      %dma_wait3A_511 = arith.constant 0 : i32
      %dma_wait3A_512 = arith.constant 0 : i32
      %dma_wait3A_513 = tpu.memref_slice %arg6[%dma_wait3A_499, %dma_wait3A_511, %dma_wait3A_512] : memref<4x128x128xf32, #tpu.memory_space<vmem>> -> memref<1x128x128xf32, #tpu.memory_space<vmem>>
      %dma_wait3A_514 = tpu.memref_squeeze %dma_wait3A_513 : memref<1x128x128xf32, #tpu.memory_space<vmem>> -> memref<128x128xf32, #tpu.memory_space<vmem>>
      tpu.wait_dma2 semaphore(%dma_wait3A_508 : memref<!tpu.dma_semaphore, #tpu.memory_space<semaphore_mem>>) src(%dma_wait3A_514 : memref<128x128xf32, #tpu.memory_space<vmem>>) dst(%dma_wait3A_510 : memref<128x128xf32, #tpu.memory_space<hbm>>)
      %add3A_515 = arith.constant 2 : i32
      %add3A_516 = arith.addi %add3A_493, %add3A_515 : i32
      %dma_start3A_517 = arith.constant 3 : i32
      %dma_start3A_518 = arith.constant 3 : i32
      %dma_start3A_519 = arith.constant 0 : i32
      %dma_start3A_520 = arith.constant 0 : i32
      %dma_start3A_521 = tpu.memref_slice %arg6[%dma_start3A_517, %dma_start3A_519, %dma_start3A_520] : memref<4x128x128xf32, #tpu.memory_space<vmem>> -> memref<1x128x128xf32, #tpu.memory_space<vmem>>
      %dma_start3A_522 = tpu.memref_squeeze %dma_start3A_521 : memref<1x128x128xf32, #tpu.memory_space<vmem>> -> memref<128x128xf32, #tpu.memory_space<vmem>>
      %dma_start3A_523 = arith.constant 0 : i32
      %dma_start3A_524 = tpu.memref_slice %arg5[%add3A_516, %dma_start3A_523] : memref<200x128xi32, #tpu.memory_space<vmem>> -> memref<1x128xi32, #tpu.memory_space<vmem>>
      %dma_start3A_525 = tpu.memref_squeeze %dma_start3A_524 : memref<1x128xi32, #tpu.memory_space<vmem>> -> memref<128xi32, #tpu.memory_space<vmem>>
      %dma_start3A_526 = arith.constant 0 : i32
      %dma_start3A_527 = arith.constant 0 : i32
      %dma_start3A_528 = tpu.memref_slice %arg3[%dma_start3A_526, %dma_start3A_527] : memref<1000000x128xf32, #tpu.memory_space<hbm>> -> memref<1000000x128xf32, #tpu.memory_space<hbm>>
      %dma_start3A_529 = tpu.memref_slice %arg7[%dma_start3A_518] : memref<4x!tpu.dma_semaphore, #tpu.memory_space<semaphore_mem>> -> memref<1x!tpu.dma_semaphore, #tpu.memory_space<semaphore_mem>>
      %dma_start3A_530 = tpu.memref_squeeze %dma_start3A_529 : memref<1x!tpu.dma_semaphore, #tpu.memory_space<semaphore_mem>> -> memref<!tpu.dma_semaphore, #tpu.memory_space<semaphore_mem>>
      tpu.enqueue_indirect_dma source(%dma_start3A_528 : memref<1000000x128xf32, #tpu.memory_space<hbm>>) target(%dma_start3A_522 : memref<128x128xf32, #tpu.memory_space<vmem>>) offsets(%dma_start3A_525 : memref<128xi32, #tpu.memory_space<vmem>>) semaphore(%dma_start3A_530 : memref<!tpu.dma_semaphore, #tpu.memory_space<semaphore_mem>>)
      %dma_wait3A_531 = arith.constant 1 : i32
      %dma_wait3A_532 = arith.constant 1 : i32
      %dma_wait3A_533 = arith.constant 0 : i32
      %dma_wait3A_534 = arith.constant 0 : i32
      %dma_wait3A_535 = tpu.memref_slice %arg6[%dma_wait3A_531, %dma_wait3A_533, %dma_wait3A_534] : memref<4x128x128xf32, #tpu.memory_space<vmem>> -> memref<1x128x128xf32, #tpu.memory_space<vmem>>
      %dma_wait3A_536 = tpu.memref_squeeze %dma_wait3A_535 : memref<1x128x128xf32, #tpu.memory_space<vmem>> -> memref<128x128xf32, #tpu.memory_space<vmem>>
      %dma_wait3A_537 = arith.constant 0 : i32
      %dma_wait3A_538 = tpu.memref_slice %arg5[%add3A_493, %dma_wait3A_537] : memref<200x128xi32, #tpu.memory_space<vmem>> -> memref<1x128xi32, #tpu.memory_space<vmem>>
      %dma_wait3A_539 = tpu.memref_squeeze %dma_wait3A_538 : memref<1x128xi32, #tpu.memory_space<vmem>> -> memref<128xi32, #tpu.memory_space<vmem>>
      %dma_wait3A_540 = arith.constant 0 : i32
      %dma_wait3A_541 = arith.constant 0 : i32
      %dma_wait3A_542 = tpu.memref_slice %arg3[%dma_wait3A_540, %dma_wait3A_541] : memref<1000000x128xf32, #tpu.memory_space<hbm>> -> memref<1000000x128xf32, #tpu.memory_space<hbm>>
      %dma_wait3A_543 = tpu.memref_slice %arg7[%dma_wait3A_532] : memref<4x!tpu.dma_semaphore, #tpu.memory_space<semaphore_mem>> -> memref<1x!tpu.dma_semaphore, #tpu.memory_space<semaphore_mem>>
      %dma_wait3A_544 = tpu.memref_squeeze %dma_wait3A_543 : memref<1x!tpu.dma_semaphore, #tpu.memory_space<semaphore_mem>> -> memref<!tpu.dma_semaphore, #tpu.memory_space<semaphore_mem>>
      tpu.wait_indirect_dma semaphore(%dma_wait3A_544 : memref<!tpu.dma_semaphore, #tpu.memory_space<semaphore_mem>>) src(%dma_wait3A_542 : memref<1000000x128xf32, #tpu.memory_space<hbm>>) dst(%dma_wait3A_536 : memref<128x128xf32, #tpu.memory_space<vmem>>)
      %mul3A_545 = arith.constant 128 : i32
      %mul3A_546 = arith.muli %add3A_493, %mul3A_545 : i32
      %add3A_547 = arith.addi %mul3A_4, %mul3A_546 : i32
      %dma_start3A_548 = arith.constant 1 : i32
      %dma_start3A_549 = arith.constant 1 : i32
      %dma_start3A_550 = arith.constant 0 : i32
      %dma_start3A_551 = arith.constant 0 : i32
      %dma_start3A_552 = tpu.memref_slice %arg6[%dma_start3A_548, %dma_start3A_550, %dma_start3A_551] : memref<4x128x128xf32, #tpu.memory_space<vmem>> -> memref<1x128x128xf32, #tpu.memory_space<vmem>>
      %dma_start3A_553 = tpu.memref_squeeze %dma_start3A_552 : memref<1x128x128xf32, #tpu.memory_space<vmem>> -> memref<128x128xf32, #tpu.memory_space<vmem>>
      %dma_start3A_554 = arith.constant 0 : i32
      %dma_start3A_555 = tpu.memref_slice %arg4[%add3A_547, %dma_start3A_554] : memref<819200x128xf32, #tpu.memory_space<hbm>> -> memref<128x128xf32, #tpu.memory_space<hbm>>
      %dma_start3A_556 = tpu.memref_slice %arg8[%dma_start3A_549] : memref<4x!tpu.dma_semaphore, #tpu.memory_space<semaphore_mem>> -> memref<1x!tpu.dma_semaphore, #tpu.memory_space<semaphore_mem>>
      %dma_start3A_557 = tpu.memref_squeeze %dma_start3A_556 : memref<1x!tpu.dma_semaphore, #tpu.memory_space<semaphore_mem>> -> memref<!tpu.dma_semaphore, #tpu.memory_space<semaphore_mem>>
      %dma_start3A_558 = arith.constant 0 : i32
      %dma_start3A_559 = tpu.memref_slice %arg4[%add3A_547, %dma_start3A_558] : memref<819200x128xf32, #tpu.memory_space<hbm>> -> memref<128x128xf32, #tpu.memory_space<hbm>>
      %dma_start3A_560 = arith.constant 0 : i32
      %dma_start3A_561 = arith.constant 0 : i32
      %dma_start3A_562 = tpu.memref_slice %arg6[%dma_start3A_548, %dma_start3A_560, %dma_start3A_561] : memref<4x128x128xf32, #tpu.memory_space<vmem>> -> memref<1x128x128xf32, #tpu.memory_space<vmem>>
      %dma_start3A_563 = tpu.memref_squeeze %dma_start3A_562 : memref<1x128x128xf32, #tpu.memory_space<vmem>> -> memref<128x128xf32, #tpu.memory_space<vmem>>
      tpu.enqueue_dma source(%dma_start3A_563 : memref<128x128xf32, #tpu.memory_space<vmem>>) target(%dma_start3A_559 : memref<128x128xf32, #tpu.memory_space<hbm>>) target_semaphore(%dma_start3A_557 : memref<!tpu.dma_semaphore, #tpu.memory_space<semaphore_mem>>)
    }
    %scan3A_133 = arith.constant 49 : i32
    %add3A_134 = arith.constant 25088 : i32
    %add3A_135 = arith.addi %mul3A_4, %add3A_134 : i32
    %dma_wait3A_136 = arith.constant 0 : i32
    %dma_wait3A_137 = arith.constant 0 : i32
    %dma_wait3A_138 = arith.constant 0 : i32
    %dma_wait3A_139 = arith.constant 0 : i32
    %dma_wait3A_140 = tpu.memref_slice %arg6[%dma_wait3A_136, %dma_wait3A_138, %dma_wait3A_139] : memref<4x128x128xf32, #tpu.memory_space<vmem>> -> memref<1x128x128xf32, #tpu.memory_space<vmem>>
    %dma_wait3A_141 = tpu.memref_squeeze %dma_wait3A_140 : memref<1x128x128xf32, #tpu.memory_space<vmem>> -> memref<128x128xf32, #tpu.memory_space<vmem>>
    %dma_wait3A_142 = arith.constant 0 : i32
    %dma_wait3A_143 = tpu.memref_slice %arg4[%add3A_135, %dma_wait3A_142] : memref<819200x128xf32, #tpu.memory_space<hbm>> -> memref<128x128xf32, #tpu.memory_space<hbm>>
    %dma_wait3A_144 = tpu.memref_slice %arg8[%dma_wait3A_137] : memref<4x!tpu.dma_semaphore, #tpu.memory_space<semaphore_mem>> -> memref<1x!tpu.dma_semaphore, #tpu.memory_space<semaphore_mem>>
    %dma_wait3A_145 = tpu.memref_squeeze %dma_wait3A_144 : memref<1x!tpu.dma_semaphore, #tpu.memory_space<semaphore_mem>> -> memref<!tpu.dma_semaphore, #tpu.memory_space<semaphore_mem>>
    %dma_wait3A_146 = arith.constant 0 : i32
    %dma_wait3A_147 = tpu.memref_slice %arg4[%add3A_135, %dma_wait3A_146] : memref<819200x128xf32, #tpu.memory_space<hbm>> -> memref<128x128xf32, #tpu.memory_space<hbm>>
    %dma_wait3A_148 = arith.constant 0 : i32
    %dma_wait3A_149 = arith.constant 0 : i32
    %dma_wait3A_150 = tpu.memref_slice %arg6[%dma_wait3A_136, %dma_wait3A_148, %dma_wait3A_149] : memref<4x128x128xf32, #tpu.memory_space<vmem>> -> memref<1x128x128xf32, #tpu.memory_space<vmem>>
    %dma_wait3A_151 = tpu.memref_squeeze %dma_wait3A_150 : memref<1x128x128xf32, #tpu.memory_space<vmem>> -> memref<128x128xf32, #tpu.memory_space<vmem>>
    tpu.wait_dma2 semaphore(%dma_wait3A_145 : memref<!tpu.dma_semaphore, #tpu.memory_space<semaphore_mem>>) src(%dma_wait3A_151 : memref<128x128xf32, #tpu.memory_space<vmem>>) dst(%dma_wait3A_147 : memref<128x128xf32, #tpu.memory_space<hbm>>)
    %dma_wait3A_152 = arith.constant 198 : i32
    %dma_wait3A_153 = arith.constant 2 : i32
    %dma_wait3A_154 = arith.constant 2 : i32
    %dma_wait3A_155 = arith.constant 0 : i32
    %dma_wait3A_156 = arith.constant 0 : i32
    %dma_wait3A_157 = tpu.memref_slice %arg6[%dma_wait3A_153, %dma_wait3A_155, %dma_wait3A_156] : memref<4x128x128xf32, #tpu.memory_space<vmem>> -> memref<1x128x128xf32, #tpu.memory_space<vmem>>
    %dma_wait3A_158 = tpu.memref_squeeze %dma_wait3A_157 : memref<1x128x128xf32, #tpu.memory_space<vmem>> -> memref<128x128xf32, #tpu.memory_space<vmem>>
    %dma_wait3A_159 = arith.constant 0 : i32
    %dma_wait3A_160 = tpu.memref_slice %arg5[%dma_wait3A_152, %dma_wait3A_159] : memref<200x128xi32, #tpu.memory_space<vmem>> -> memref<1x128xi32, #tpu.memory_space<vmem>>
    %dma_wait3A_161 = tpu.memref_squeeze %dma_wait3A_160 : memref<1x128xi32, #tpu.memory_space<vmem>> -> memref<128xi32, #tpu.memory_space<vmem>>
    %dma_wait3A_162 = arith.constant 0 : i32
    %dma_wait3A_163 = arith.constant 0 : i32
    %dma_wait3A_164 = tpu.memref_slice %arg3[%dma_wait3A_162, %dma_wait3A_163] : memref<1000000x128xf32, #tpu.memory_space<hbm>> -> memref<1000000x128xf32, #tpu.memory_space<hbm>>
    %dma_wait3A_165 = tpu.memref_slice %arg7[%dma_wait3A_154] : memref<4x!tpu.dma_semaphore, #tpu.memory_space<semaphore_mem>> -> memref<1x!tpu.dma_semaphore, #tpu.memory_space<semaphore_mem>>
    %dma_wait3A_166 = tpu.memref_squeeze %dma_wait3A_165 : memref<1x!tpu.dma_semaphore, #tpu.memory_space<semaphore_mem>> -> memref<!tpu.dma_semaphore, #tpu.memory_space<semaphore_mem>>
    tpu.wait_indirect_dma semaphore(%dma_wait3A_166 : memref<!tpu.dma_semaphore, #tpu.memory_space<semaphore_mem>>) src(%dma_wait3A_164 : memref<1000000x128xf32, #tpu.memory_space<hbm>>) dst(%dma_wait3A_158 : memref<128x128xf32, #tpu.memory_space<vmem>>)
    %add3A_167 = arith.constant 25344 : i32
    %add3A_168 = arith.addi %mul3A_4, %add3A_167 : i32
    %dma_start3A_169 = arith.constant 2 : i32
    %dma_start3A_170 = arith.constant 2 : i32
    %dma_start3A_171 = arith.constant 0 : i32
    %dma_start3A_172 = arith.constant 0 : i32
    %dma_start3A_173 = tpu.memref_slice %arg6[%dma_start3A_169, %dma_start3A_171, %dma_start3A_172] : memref<4x128x128xf32, #tpu.memory_space<vmem>> -> memref<1x128x128xf32, #tpu.memory_space<vmem>>
    %dma_start3A_174 = tpu.memref_squeeze %dma_start3A_173 : memref<1x128x128xf32, #tpu.memory_space<vmem>> -> memref<128x128xf32, #tpu.memory_space<vmem>>
    %dma_start3A_175 = arith.constant 0 : i32
    %dma_start3A_176 = tpu.memref_slice %arg4[%add3A_168, %dma_start3A_175] : memref<819200x128xf32, #tpu.memory_space<hbm>> -> memref<128x128xf32, #tpu.memory_space<hbm>>
    %dma_start3A_177 = tpu.memref_slice %arg8[%dma_start3A_170] : memref<4x!tpu.dma_semaphore, #tpu.memory_space<semaphore_mem>> -> memref<1x!tpu.dma_semaphore, #tpu.memory_space<semaphore_mem>>
    %dma_start3A_178 = tpu.memref_squeeze %dma_start3A_177 : memref<1x!tpu.dma_semaphore, #tpu.memory_space<semaphore_mem>> -> memref<!tpu.dma_semaphore, #tpu.memory_space<semaphore_mem>>
    %dma_start3A_179 = arith.constant 0 : i32
    %dma_start3A_180 = tpu.memref_slice %arg4[%add3A_168, %dma_start3A_179] : memref<819200x128xf32, #tpu.memory_space<hbm>> -> memref<128x128xf32, #tpu.memory_space<hbm>>
    %dma_start3A_181 = arith.constant 0 : i32
    %dma_start3A_182 = arith.constant 0 : i32
    %dma_start3A_183 = tpu.memref_slice %arg6[%dma_start3A_169, %dma_start3A_181, %dma_start3A_182] : memref<4x128x128xf32, #tpu.memory_space<vmem>> -> memref<1x128x128xf32, #tpu.memory_space<vmem>>
    %dma_start3A_184 = tpu.memref_squeeze %dma_start3A_183 : memref<1x128x128xf32, #tpu.memory_space<vmem>> -> memref<128x128xf32, #tpu.memory_space<vmem>>
    tpu.enqueue_dma source(%dma_start3A_184 : memref<128x128xf32, #tpu.memory_space<vmem>>) target(%dma_start3A_180 : memref<128x128xf32, #tpu.memory_space<hbm>>) target_semaphore(%dma_start3A_178 : memref<!tpu.dma_semaphore, #tpu.memory_space<semaphore_mem>>)
    %add3A_185 = arith.constant 25216 : i32
    %add3A_186 = arith.addi %mul3A_4, %add3A_185 : i32
    %dma_wait3A_187 = arith.constant 1 : i32
    %dma_wait3A_188 = arith.constant 1 : i32
    %dma_wait3A_189 = arith.constant 0 : i32
    %dma_wait3A_190 = arith.constant 0 : i32
    %dma_wait3A_191 = tpu.memref_slice %arg6[%dma_wait3A_187, %dma_wait3A_189, %dma_wait3A_190] : memref<4x128x128xf32, #tpu.memory_space<vmem>> -> memref<1x128x128xf32, #tpu.memory_space<vmem>>
    %dma_wait3A_192 = tpu.memref_squeeze %dma_wait3A_191 : memref<1x128x128xf32, #tpu.memory_space<vmem>> -> memref<128x128xf32, #tpu.memory_space<vmem>>
    %dma_wait3A_193 = arith.constant 0 : i32
    %dma_wait3A_194 = tpu.memref_slice %arg4[%add3A_186, %dma_wait3A_193] : memref<819200x128xf32, #tpu.memory_space<hbm>> -> memref<128x128xf32, #tpu.memory_space<hbm>>
    %dma_wait3A_195 = tpu.memref_slice %arg8[%dma_wait3A_188] : memref<4x!tpu.dma_semaphore, #tpu.memory_space<semaphore_mem>> -> memref<1x!tpu.dma_semaphore, #tpu.memory_space<semaphore_mem>>
    %dma_wait3A_196 = tpu.memref_squeeze %dma_wait3A_195 : memref<1x!tpu.dma_semaphore, #tpu.memory_space<semaphore_mem>> -> memref<!tpu.dma_semaphore, #tpu.memory_space<semaphore_mem>>
    %dma_wait3A_197 = arith.constant 0 : i32
    %dma_wait3A_198 = tpu.memref_slice %arg4[%add3A_186, %dma_wait3A_197] : memref<819200x128xf32, #tpu.memory_space<hbm>> -> memref<128x128xf32, #tpu.memory_space<hbm>>
    %dma_wait3A_199 = arith.constant 0 : i32
    %dma_wait3A_200 = arith.constant 0 : i32
    %dma_wait3A_201 = tpu.memref_slice %arg6[%dma_wait3A_187, %dma_wait3A_199, %dma_wait3A_200] : memref<4x128x128xf32, #tpu.memory_space<vmem>> -> memref<1x128x128xf32, #tpu.memory_space<vmem>>
    %dma_wait3A_202 = tpu.memref_squeeze %dma_wait3A_201 : memref<1x128x128xf32, #tpu.memory_space<vmem>> -> memref<128x128xf32, #tpu.memory_space<vmem>>
    tpu.wait_dma2 semaphore(%dma_wait3A_196 : memref<!tpu.dma_semaphore, #tpu.memory_space<semaphore_mem>>) src(%dma_wait3A_202 : memref<128x128xf32, #tpu.memory_space<vmem>>) dst(%dma_wait3A_198 : memref<128x128xf32, #tpu.memory_space<hbm>>)
    %dma_wait3A_203 = arith.constant 199 : i32
    %dma_wait3A_204 = arith.constant 3 : i32
    %dma_wait3A_205 = arith.constant 3 : i32
    %dma_wait3A_206 = arith.constant 0 : i32
    %dma_wait3A_207 = arith.constant 0 : i32
    %dma_wait3A_208 = tpu.memref_slice %arg6[%dma_wait3A_204, %dma_wait3A_206, %dma_wait3A_207] : memref<4x128x128xf32, #tpu.memory_space<vmem>> -> memref<1x128x128xf32, #tpu.memory_space<vmem>>
    %dma_wait3A_209 = tpu.memref_squeeze %dma_wait3A_208 : memref<1x128x128xf32, #tpu.memory_space<vmem>> -> memref<128x128xf32, #tpu.memory_space<vmem>>
    %dma_wait3A_210 = arith.constant 0 : i32
    %dma_wait3A_211 = tpu.memref_slice %arg5[%dma_wait3A_203, %dma_wait3A_210] : memref<200x128xi32, #tpu.memory_space<vmem>> -> memref<1x128xi32, #tpu.memory_space<vmem>>
    %dma_wait3A_212 = tpu.memref_squeeze %dma_wait3A_211 : memref<1x128xi32, #tpu.memory_space<vmem>> -> memref<128xi32, #tpu.memory_space<vmem>>
    %dma_wait3A_213 = arith.constant 0 : i32
    %dma_wait3A_214 = arith.constant 0 : i32
    %dma_wait3A_215 = tpu.memref_slice %arg3[%dma_wait3A_213, %dma_wait3A_214] : memref<1000000x128xf32, #tpu.memory_space<hbm>> -> memref<1000000x128xf32, #tpu.memory_space<hbm>>
    %dma_wait3A_216 = tpu.memref_slice %arg7[%dma_wait3A_205] : memref<4x!tpu.dma_semaphore, #tpu.memory_space<semaphore_mem>> -> memref<1x!tpu.dma_semaphore, #tpu.memory_space<semaphore_mem>>
    %dma_wait3A_217 = tpu.memref_squeeze %dma_wait3A_216 : memref<1x!tpu.dma_semaphore, #tpu.memory_space<semaphore_mem>> -> memref<!tpu.dma_semaphore, #tpu.memory_space<semaphore_mem>>
    tpu.wait_indirect_dma semaphore(%dma_wait3A_217 : memref<!tpu.dma_semaphore, #tpu.memory_space<semaphore_mem>>) src(%dma_wait3A_215 : memref<1000000x128xf32, #tpu.memory_space<hbm>>) dst(%dma_wait3A_209 : memref<128x128xf32, #tpu.memory_space<vmem>>)
    %add3A_218 = arith.constant 25472 : i32
    %add3A_219 = arith.addi %mul3A_4, %add3A_218 : i32
    %dma_start3A_220 = arith.constant 3 : i32
    %dma_start3A_221 = arith.constant 3 : i32
    %dma_start3A_222 = arith.constant 0 : i32
    %dma_start3A_223 = arith.constant 0 : i32
    %dma_start3A_224 = tpu.memref_slice %arg6[%dma_start3A_220, %dma_start3A_222, %dma_start3A_223] : memref<4x128x128xf32, #tpu.memory_space<vmem>> -> memref<1x128x128xf32, #tpu.memory_space<vmem>>
    %dma_start3A_225 = tpu.memref_squeeze %dma_start3A_224 : memref<1x128x128xf32, #tpu.memory_space<vmem>> -> memref<128x128xf32, #tpu.memory_space<vmem>>
    %dma_start3A_226 = arith.constant 0 : i32
    %dma_start3A_227 = tpu.memref_slice %arg4[%add3A_219, %dma_start3A_226] : memref<819200x128xf32, #tpu.memory_space<hbm>> -> memref<128x128xf32, #tpu.memory_space<hbm>>
    %dma_start3A_228 = tpu.memref_slice %arg8[%dma_start3A_221] : memref<4x!tpu.dma_semaphore, #tpu.memory_space<semaphore_mem>> -> memref<1x!tpu.dma_semaphore, #tpu.memory_space<semaphore_mem>>
    %dma_start3A_229 = tpu.memref_squeeze %dma_start3A_228 : memref<1x!tpu.dma_semaphore, #tpu.memory_space<semaphore_mem>> -> memref<!tpu.dma_semaphore, #tpu.memory_space<semaphore_mem>>
    %dma_start3A_230 = arith.constant 0 : i32
    %dma_start3A_231 = tpu.memref_slice %arg4[%add3A_219, %dma_start3A_230] : memref<819200x128xf32, #tpu.memory_space<hbm>> -> memref<128x128xf32, #tpu.memory_space<hbm>>
    %dma_start3A_232 = arith.constant 0 : i32
    %dma_start3A_233 = arith.constant 0 : i32
    %dma_start3A_234 = tpu.memref_slice %arg6[%dma_start3A_220, %dma_start3A_232, %dma_start3A_233] : memref<4x128x128xf32, #tpu.memory_space<vmem>> -> memref<1x128x128xf32, #tpu.memory_space<vmem>>
    %dma_start3A_235 = tpu.memref_squeeze %dma_start3A_234 : memref<1x128x128xf32, #tpu.memory_space<vmem>> -> memref<128x128xf32, #tpu.memory_space<vmem>>
    tpu.enqueue_dma source(%dma_start3A_235 : memref<128x128xf32, #tpu.memory_space<vmem>>) target(%dma_start3A_231 : memref<128x128xf32, #tpu.memory_space<hbm>>) target_semaphore(%dma_start3A_229 : memref<!tpu.dma_semaphore, #tpu.memory_space<semaphore_mem>>)
    %add3A_236 = arith.constant 25344 : i32
    %add3A_237 = arith.addi %mul3A_4, %add3A_236 : i32
    %dma_wait3A_238 = arith.constant 2 : i32
    %dma_wait3A_239 = arith.constant 2 : i32
    %dma_wait3A_240 = arith.constant 0 : i32
    %dma_wait3A_241 = arith.constant 0 : i32
    %dma_wait3A_242 = tpu.memref_slice %arg6[%dma_wait3A_238, %dma_wait3A_240, %dma_wait3A_241] : memref<4x128x128xf32, #tpu.memory_space<vmem>> -> memref<1x128x128xf32, #tpu.memory_space<vmem>>
    %dma_wait3A_243 = tpu.memref_squeeze %dma_wait3A_242 : memref<1x128x128xf32, #tpu.memory_space<vmem>> -> memref<128x128xf32, #tpu.memory_space<vmem>>
    %dma_wait3A_244 = arith.constant 0 : i32
    %dma_wait3A_245 = tpu.memref_slice %arg4[%add3A_237, %dma_wait3A_244] : memref<819200x128xf32, #tpu.memory_space<hbm>> -> memref<128x128xf32, #tpu.memory_space<hbm>>
    %dma_wait3A_246 = tpu.memref_slice %arg8[%dma_wait3A_239] : memref<4x!tpu.dma_semaphore, #tpu.memory_space<semaphore_mem>> -> memref<1x!tpu.dma_semaphore, #tpu.memory_space<semaphore_mem>>
    %dma_wait3A_247 = tpu.memref_squeeze %dma_wait3A_246 : memref<1x!tpu.dma_semaphore, #tpu.memory_space<semaphore_mem>> -> memref<!tpu.dma_semaphore, #tpu.memory_space<semaphore_mem>>
    %dma_wait3A_248 = arith.constant 0 : i32
    %dma_wait3A_249 = tpu.memref_slice %arg4[%add3A_237, %dma_wait3A_248] : memref<819200x128xf32, #tpu.memory_space<hbm>> -> memref<128x128xf32, #tpu.memory_space<hbm>>
    %dma_wait3A_250 = arith.constant 0 : i32
    %dma_wait3A_251 = arith.constant 0 : i32
    %dma_wait3A_252 = tpu.memref_slice %arg6[%dma_wait3A_238, %dma_wait3A_250, %dma_wait3A_251] : memref<4x128x128xf32, #tpu.memory_space<vmem>> -> memref<1x128x128xf32, #tpu.memory_space<vmem>>
    %dma_wait3A_253 = tpu.memref_squeeze %dma_wait3A_252 : memref<1x128x128xf32, #tpu.memory_space<vmem>> -> memref<128x128xf32, #tpu.memory_space<vmem>>
    tpu.wait_dma2 semaphore(%dma_wait3A_247 : memref<!tpu.dma_semaphore, #tpu.memory_space<semaphore_mem>>) src(%dma_wait3A_253 : memref<128x128xf32, #tpu.memory_space<vmem>>) dst(%dma_wait3A_249 : memref<128x128xf32, #tpu.memory_space<hbm>>)
    %add3A_254 = arith.constant 25472 : i32
    %add3A_255 = arith.addi %mul3A_4, %add3A_254 : i32
    %dma_wait3A_256 = arith.constant 3 : i32
    %dma_wait3A_257 = arith.constant 3 : i32
    %dma_wait3A_258 = arith.constant 0 : i32
    %dma_wait3A_259 = arith.constant 0 : i32
    %dma_wait3A_260 = tpu.memref_slice %arg6[%dma_wait3A_256, %dma_wait3A_258, %dma_wait3A_259] : memref<4x128x128xf32, #tpu.memory_space<vmem>> -> memref<1x128x128xf32, #tpu.memory_space<vmem>>
    %dma_wait3A_261 = tpu.memref_squeeze %dma_wait3A_260 : memref<1x128x128xf32, #tpu.memory_space<vmem>> -> memref<128x128xf32, #tpu.memory_space<vmem>>
    %dma_wait3A_262 = arith.constant 0 : i32
    %dma_wait3A_263 = tpu.memref_slice %arg4[%add3A_255, %dma_wait3A_262] : memref<819200x128xf32, #tpu.memory_space<hbm>> -> memref<128x128xf32, #tpu.memory_space<hbm>>
    %dma_wait3A_264 = tpu.memref_slice %arg8[%dma_wait3A_257] : memref<4x!tpu.dma_semaphore, #tpu.memory_space<semaphore_mem>> -> memref<1x!tpu.dma_semaphore, #tpu.memory_space<semaphore_mem>>
    %dma_wait3A_265 = tpu.memref_squeeze %dma_wait3A_264 : memref<1x!tpu.dma_semaphore, #tpu.memory_space<semaphore_mem>> -> memref<!tpu.dma_semaphore, #tpu.memory_space<semaphore_mem>>
    %dma_wait3A_266 = arith.constant 0 : i32
    %dma_wait3A_267 = tpu.memref_slice %arg4[%add3A_255, %dma_wait3A_266] : memref<819200x128xf32, #tpu.memory_space<hbm>> -> memref<128x128xf32, #tpu.memory_space<hbm>>
    %dma_wait3A_268 = arith.constant 0 : i32
    %dma_wait3A_269 = arith.constant 0 : i32
    %dma_wait3A_270 = tpu.memref_slice %arg6[%dma_wait3A_256, %dma_wait3A_268, %dma_wait3A_269] : memref<4x128x128xf32, #tpu.memory_space<vmem>> -> memref<1x128x128xf32, #tpu.memory_space<vmem>>
    %dma_wait3A_271 = tpu.memref_squeeze %dma_wait3A_270 : memref<1x128x128xf32, #tpu.memory_space<vmem>> -> memref<128x128xf32, #tpu.memory_space<vmem>>
    tpu.wait_dma2 semaphore(%dma_wait3A_265 : memref<!tpu.dma_semaphore, #tpu.memory_space<semaphore_mem>>) src(%dma_wait3A_271 : memref<128x128xf32, #tpu.memory_space<vmem>>) dst(%dma_wait3A_267 : memref<128x128xf32, #tpu.memory_space<hbm>>)
    return
  }
}

</mosaic_0001>

<sc_bundles>
// kernel: kernel.3.cloned.1.call-start
scs
__scs_entry_jumppad:
0x0: {  	(pc) =	sbr.rel $0x88, $3  }
0x1: {  	(tag) =	ssettag $0x0;
	lr =	simm.s32 $0x1  }
0x2: {  	[smem:$0x3F9F] =	sst lr;
	_ =	strace $0xD0000000  }
0x3: {  	_ = 	snop  }
0x4: {  	_ = 	snop  }
0x5: {  	_ = 	snop  }
0x6: {  	_ = 	snop  }
0x7: {  	_ = 	snop  }
__scs_overlays_trampoline_lowered:
0x8: {  	[smem:$0x3FAE] =	sst s0  }
0x9: {  	[smem:$0x3FAF] =	sst s1  }
0xa: {  	[smem:$0x3FB0] =	sst s2  }
0xb: {  	[smem:$0x3FB1] =	sst s3  }
0xc: {  	[smem:$0x3FB2] =	sst s4  }
0xd: {  	[smem:$0x3FB3] =	sst s5  }
0xe: {  	[smem:$0x3FB4] =	sst s6  }
0xf: {  	[smem:$0x3FB5] =	sst s7  }
0x10: {  	[smem:$0x3FB6] =	sst s8  }
0x11: {  	[smem:$0x3FB7] =	sst s9;
	s0 =	simm.s32 @!p0 $0x0  }
0x12: {  	s1 =	sld [smem:$0x3F9D];
	s0 =	simm.s32 @p0 $0x1  }
0x13: {  	[smem:$0x3FB8] =	sst s0;
	s0 =	simm.s32 @!p1 $0x0  }
0x14: {  	s2 =	sld [smem:$0x3F9C];
	s0 =	simm.s32 @p1 $0x1  }
0x15: {  	[smem:$0x3FB9] =	sst s0;
	s0 =	simm.s32 @!p2 $0x0  }
0x16: {  	s3 =	sld [smem:$0x3FDB];
	s0 =	simm.s32 @p2 $0x1  }
0x17: {  	s4 =	simm.s32 $0x1BF5;
	[smem:$0x3FBB] =	sst s0  }
0x18: {  	s0 =	sld [smem:$0x3F9E];
	_ =	swait.ge [sflag:s4], $0x0  }
0x19: {  	s7 =	sld [smem:$0x3F9F]  }
0x1a: {  	s8 =	sadd.s32 $0xFFFFE003, lr  }
0x1b: {  	s9 =	sadd.s32 $0xFFFFFEF7, lr;
	s5 =	simm.s32 $0xFFFFFFFF;
	p2 =	slt.u32 s8, $0xFFFFF086  }
0x1c: {  	p1 =	slt.u32 s9, $0xF7A;
	s5 =	simm.s32 @!p2 $0x0  }
0x1d: {  	s5 =	simm.s32 @p1 $0x1;
	p0 =	seq.s32 s7, s2  }
0x1e: {  	s7 =	smul.u32 @!p0 $0xF7A, s2;
	p2 =	seq.s32 @!p0 s5, $0x0  }
0x1f: {  	s9 =	smul.u32 $0xF7A, s1;
	s8 =	simm.s32 @!p0 $0x1BF5;
	p2 =	por !p2, p0  }
0x20: {  	[sflag:s8] =	ssyncset.s32 @!p0 $0xFFFFF086;
	s6 =	sadd.s32 @!p0 s3, s7;
	s7 =	simm.s32 @!p0 $0x108  }
0x21: {  	s3 =	sadd.s32 s3, s9;
	s6 =	sadd.s32 @!p0 $0x88, s6;
	s7 =	simm.s32 @p2 $0x1082  }
0x22: {  	[simem:s7], [sflag:s8] =	dma.local @!p0 [hbm:s6], $0xF7A  }
0x23: {  	s9 =	sor.u32 $0xD0000000, s2;
	s6 =	simm.s32 $0x108;
	_ =	swait.ge @!p0 [sflag:s8], $0x0  }
0x24: {  	s3 =	sadd.s32 $0x88, s3;
	s6 =	simm.s32 @!p1 $0x1082;
	[sflag:s4] =	ssyncset.s32 $0xFFFFF086  }
0x25: {  	[simem:s6], [sflag:s4] =	dma.local [hbm:s3], $0xF7A  }
0x26: {  	[smem:$0x3F9F] =	sst s1;
	(tag) =	ssettag s2;
	_ =	strace s9  }
0x27: {  	s1 =	sld [smem:$0x3FAF]  }
0x28: {  	s2 =	sld [smem:$0x3FB0]  }
0x29: {  	s4 =	sld [smem:$0x3FB2]  }
0x2a: {  	p0 =	seq.s32 s5, $0x0;
	s5 =	sld [smem:$0x3FB3]  }
0x2b: {  	s6 =	sld [smem:$0x3FB4]  }
0x2c: {  	s7 =	sld [smem:$0x3FB5]  }
0x2d: {  	s3 =	simm.s32 $0x108;
	s8 =	sld [smem:$0x3FB6]  }
0x2e: {  	s3 =	simm.s32 @!p0 $0x1082;
	s9 =	sld [smem:$0x3FB7]  }
0x2f: {  	lr =	sadd.s32 s0, s3;
	s0 =	sld [smem:$0x3FAE]  }
0x30: {  	s3 =	sld [smem:$0x3FB1]  }
0x31: {  	[smem:$0x3FBA] =	sst s10  }
0x32: {  	s10 =	sld [smem:$0x3FB8];
	_ =	sdelay $0x3  }
0x33: {  	p0 =	seq.s32 s10, $0x1;
	s10 =	sld [smem:$0x3FBA];
	_ =	sdelay $0x3  }
0x34: {  	[smem:$0x3FBA] =	sst s10  }
0x35: {  	s10 =	sld [smem:$0x3FB9];
	_ =	sdelay $0x3  }
0x36: {  	p1 =	seq.s32 s10, $0x1;
	s10 =	sld [smem:$0x3FBA];
	_ =	sdelay $0x3  }
0x37: {  	[smem:$0x3FBA] =	sst s10  }
0x38: {  	s10 =	sld [smem:$0x3FBB]  }
0x39: {  	_ = 	snop;
	(pc) =	sbr.ind lr, $3  }
0x3a: {  	_ = 	snop  }
0x3b: {  	_ = 	snop  }
0x3c: {  	p2 =	seq.s32 s10, $0x1;
	s10 =	sld [smem:$0x3FBA]  }
0x3d: {  	_ =	shalt  }
0x3e: {  	_ =	shalt  }
0x3f: {  	_ =	shalt  }
0x40: {  	_ =	shalt  }
0x41: {  	_ =	shalt  }
0x42: {  	_ =	shalt  }
0x43: {  	_ =	shalt  }
0x44: {  	_ =	shalt  }
0x45: {  	_ =	shalt  }
0x46: {  	_ =	shalt  }
0x47: {  	_ =	shalt  }
0x48: {  	_ =	shalt  }
0x49: {  	_ =	shalt  }
0x4a: {  	_ =	shalt  }
0x4b: {  	_ =	shalt  }
0x4c: {  	_ =	shalt  }
0x4d: {  	_ =	shalt  }
0x4e: {  	_ =	shalt  }
0x4f: {  	_ =	shalt  }
0x50: {  	_ =	shalt  }
0x51: {  	_ =	shalt  }
0x52: {  	_ =	shalt  }
0x53: {  	_ =	shalt  }
0x54: {  	_ =	shalt  }
0x55: {  	_ =	shalt  }
0x56: {  	_ =	shalt  }
0x57: {  	_ =	shalt  }
0x58: {  	_ =	shalt  }
0x59: {  	_ =	shalt  }
0x5a: {  	_ =	shalt  }
0x5b: {  	_ =	shalt  }
0x5c: {  	_ =	shalt  }
0x5d: {  	_ =	shalt  }
0x5e: {  	_ =	shalt  }
0x5f: {  	_ =	shalt  }
0x60: {  	_ =	shalt  }
0x61: {  	_ =	shalt  }
0x62: {  	_ =	shalt  }
0x63: {  	_ =	shalt  }
0x64: {  	_ =	shalt  }
0x65: {  	_ =	shalt  }
0x66: {  	_ =	shalt  }
0x67: {  	_ =	shalt  }
0x68: {  	_ =	shalt  }
0x69: {  	_ =	shalt  }
0x6a: {  	_ =	shalt  }
0x6b: {  	_ =	shalt  }
0x6c: {  	_ =	shalt  }
0x6d: {  	_ =	shalt  }
0x6e: {  	_ =	shalt  }
0x6f: {  	_ =	shalt  }
0x70: {  	_ =	shalt  }
0x71: {  	_ =	shalt  }
0x72: {  	_ =	shalt  }
0x73: {  	_ =	shalt  }
0x74: {  	_ =	shalt  }
0x75: {  	_ =	shalt  }
0x76: {  	_ =	shalt  }
0x77: {  	_ =	shalt  }
0x78: {  	_ =	shalt  }
0x79: {  	_ =	shalt  }
0x7a: {  	_ =	shalt  }
0x7b: {  	_ =	shalt  }
0x7c: {  	_ =	shalt  }
0x7d: {  	_ =	shalt  }
0x7e: {  	_ =	shalt  }
0x7f: {  	_ =	shalt  }
0x80: {  	_ =	shalt  }
0x81: {  	_ =	shalt  }
0x82: {  	_ =	shalt  }
0x83: {  	_ =	shalt  }
0x84: {  	_ =	shalt  }
0x85: {  	_ =	shalt  }
0x86: {  	_ =	shalt  }
0x87: {  	_ =	shalt  }
.Lfunc_end0:
.L_simem_size_0:
called_computation.1_lowered:
.L_overlay_start_0:
0x88: {  	s2 =	sld [smem:$0x3FD9]  }
0x89: {  	s3 =	sld [smem:$0x3FFE];
	_ =	sdelay $0x1  }
0x8a: {  	s1 =	srdreg.scid  }
0x8b: {  	s0 =	sand.u32 $0x1, s1  }
0x8c: {  	s17 =	sshll.u32 s0, $0xA;
	s2 =	sadd.s32 s3, s2  }
0x8d: {  	s2 =	sadd.s32 s2, s17  }
0x8e: {  	[smem:$0x3FC6] =	sst s2  }
0x8f: {  	_ = 	snop  }
0x90: {  	s2 =	sld [smem:$0x3FD0];
	(tm) =	ssettm $0x1  }
0x91: {  	s18 =	sld [smem:$0x3FFB];
	_ =	sdelay $0x3  }
0x92: {  	_ =	strace s18  }
0x93: {  	s3 =	sld [smem:$0x3FFC];
	_ =	sdelay $0x3  }
0x94: {  	_ =	strace s3  }
0x95: {  	s3 =	sld [smem:$0x3FFD];
	_ =	sdelay $0x3  }
0x96: {  	_ =	strace s3  }
0x97: {  	_ =	strace $0x8FFFFFFF  }
0x98: {  	s19 =	sld [smem:$0x3FDB];
	_ =	sdelay $0x1  }
0x99: {  	s4 =	simm.s32 $_scs_section_size  }
0x9a: {  	s5 =	simm.s32 $_size__tile_overlayer_lowered;
	s6 =	simm.s32 $_tile_overlayer_lowered  }
0x9b: {  	s22 =	simm.s32 $0x1BFF;
	s21 =	sshll.u32 s6, $0x1;
	s3 =	sadd.s32 s4, s19  }
0x9c: {  	s7 =	simm.s32 $0x0;
	s20 =	sshll.u32 s5, $0x1;
	s5 =	sadd.s32 s21, s3  }
0x9d: {  	[timem:s7], [sflag:s22] =	dma.local [hbm:s5], s20  }
0x9e: {  	_ =	swait.ge [sflag:s22], s20  }
0x9f: {  	s4 =	ssub.s32 $0x0, s20;
	[sflag:s22] =	ssyncset.done $0x0  }
0xa0: {  	[sflag:s22] =	ssyncadd.s32 s4;
	_ =	sdelay $0x1  }
0xa1: {  	s23 =	simm.s32 $0x1B8B  }
0xa2: {  	_ =	swait.ge [sflag:s23], $0x1  }
0xa3: {  	[sflag:s23] =	ssyncset.done $0x0  }
0xa4: {  	s25 =	simm.s32 $0x1B8E;
	s24 =	sld [smem:$0x3FFE];
	[sflag:s23] =	ssyncadd.s32 $0xFFFFFFFF  }
0xa5: {  	s26 =	simm.s32 $execute0_lowered;
	[smem:$0x3FD2] =	sst s25  }
0xa6: {  	s5 =	sshll.u32 s26, $0x1;
	_ =	strace $0x80000046;
	[dreg:$0x1] =	wrdreg $0xFFFFFFFF  }
0xa7: {  	s28 =	simm.s32 $_size_execute0_lowered;
	s3 =	sadd.s32 s3, s5;
	[dreg:$0x0] =	wrdreg $0x0  }
0xa8: {  	s5 =	sshll.u32 s28, $0x1;
	[dreg:$0x2] =	wrdreg s3  }
0xa9: {  	[dreg:$0x3] =	wrdreg s5  }
0xaa: {  	[dreg:$0x4] =	wrdreg $0xC0  }
0xab: {  	_ =	task [dreg:s7], $0x5FFFF  }
0xac: {  	[dreg:$0x1] =	wrdreg $0xFFFFFFFF  }
0xad: {  	[dreg:$0x0] =	wrdreg $0x60  }
0xae: {  	[dreg:$0x2] =	wrdreg s2  }
0xaf: {  	[dreg:$0x3] =	wrdreg s24  }
0xb0: {  	[dreg:$0x4] =	wrdreg $0x9  }
0xb1: {  	_ =	task.clear_ibuf [dreg:s7], $0x5FFFF;
	_ =	strace $0x90000046  }
0xb2: {  	s29 =	simm.s32 $0x9;
	_ =	strace $0x80000048  }
0xb3: {  	_ =	swait.ge [sflag:s29], $0x1  }
0xb4: {  	[sflag:s29] =	ssyncadd.s32 $0xFFFFFFFF  }
0xb5: {  	_ =	strace $0x90000048  }
0xb6: {  	_ =	sfence  }
0xb7: {  	s30 =	sld [smem:$0x0];
	_ =	sdelay $0x2  }
0xb8: {  	s31 =	sshll.u32 s1, $0xD;
	s1 =	sshrl.u32 s1, $0x2  }
0xb9: {  	s3 =	sand.u32 $0x4000, s31;
	s1 =	sadd.s32 s1, s30  }
0xba: {  	s0 =	sor.u32 s3, s0;
	s1 =	sshll.u32 s1, $0x11  }
0xbb: {  	s0 =	sor.u32 s1, s0  }
0xbc: {  	s0 =	sadd.s32 $0x8F2B, s0  }
0xbd: {  	[sflag:s0] =	ssyncadd.remote.s32 $0x1  }
0xbe: {  	_ =	sfence.sel $0xFFFF  }
0xbf: {  	[dreg:$0x0] =	wrdreg $0xFFFFFFFF;
	(pc) =	sbr.abs _section_cstart, $3  }
0xc0: {  	[dreg:$0x1] =	wrdreg $0xFFFFFFFF  }
0xc1: {  	_ =	task.clear_ibuf [dreg:s7], $0x2FFFF;
	_ =	strace $0x9FFFFFFF  }
0xc2: {  	(tm) =	ssettm $0x7FFFFFFF  }
0xc3: {  	_ =	shalt  }
tec
execute0_lowered:
.L_overlay_start_1:
0x0: {  	(tag) =	ssettag $0x1  }
0x1: {  	s4 =	rddreg [dreg:$0x0]  }
0x2: {  	s5 =	rddreg [dreg:$0x1];
	s2 =	simm.s32 $0x0;
	s3 =	srdreg.scid  }
0x3: {  	s1 =	stileid.u32;
	s13 =	simm.s32 $0x6400;
	s14 =	simm.s32 $0xA400  }
0x4: {  	s15 =	simm.s32 $0x100;
	s16 =	simm.s32 $0xE400;
	s17 =	simm.s32 $0x1  }
0x5: {  	s18 =	simm.s32 $0x180;
	s19 =	simm.s32 $0x12400;
	s20 =	simm.s32 $0x2  }
0x6: {  	s21 =	simm.s32 $0x5;
	s22 =	simm.s32 $0x3;
	s23 =	simm.s32 $0x6  }
0x7: {  	s6 =	sand.u32 $0x1, s3;
	s24 =	sshll.u32 s1, $0x1;
	s30 =	smul.u32 $0xC8000, s1  }
0x8: {  	s28 =	simm.s32 $0x0;
	s7 =	sor.u32 s6, s24;
	s31 =	smul.u32 $0x64000, s6  }
0x9: {  	[smem:$0x7FF] =	sst s2;
	s3 =	sadd.s32 $0xF42E00, s5;
	s9 =	smul.u32 $0x6400, s7  }
0xa: {  	s10 =	sadd.s32 $0xA00, s5;
	s8 =	ssub.s32 $0x2, s6;
	s11 =	smul.u32 $0x320000, s7  }
0xb: {  	_ =	strace $0x80000047;
	s25 =	sshrl.u32 s8, $0x1;
	s7 =	smul.u32 $0x64000, s7  }
0xc: {  	s24 =	simm.s32 $0x4;
	s12 =	ssub.s32 s8, s25;
	s25 =	simm.s32 $0x7  }
0xd: {  	s26 =	sshrl.u32 s9, $0x3;
	s29 =	sshrl.u32 s11, $0x3;
	s5 =	sadd.s32 s10, s7  }
0xe: {  	s9 =	smax.u32 s12, $0x1;
	s11 =	simm.s32 $0x9;
	s12 =	simm.s32 $0x80  }
0xf: {  	s4 =	sadd.s32 s4, s26;
	s8 =	sadd.s32 s10, s29;
	s10 =	sadd.s32 s30, s10  }
0x10: {  	s6 =	sadd.s32 $0x800, s5;
	s26 =	simm.s32 $0x8;
	s10 =	sadd.s32 s31, s10  }
0x11: {  	s7 =	sadd.s32 $0x63000, s8;
	s8 =	sadd.s32 $0x63800, s8;
	s10 =	sadd.s32 $0x1800, s10  }
.LBB2_1:
0x12: {  	[tilespmem:s2], [sflag:$0x9] =	stream.linear.gather [hbm4b:s4+s2], $0x6400, $0x38;
	[tilespmem:$0x16400] =	vst v63  }
0x13: {  	_ =	swait.ge [sflag:s11], $0x6400  }
0x14: {  	[sflag:s11] =	ssyncset.done $0x0  }
0x15: {  	[sflag:s11] =	ssyncadd.s32 $0xFFFF9C00  }
0x16: {  	[tilespmem:s13], [sflag:$0x1] =	stream.indirect.gather [hbm4b:s3+s12], $0x80, s2, s12, $0xb8;
	[tilespmem:$0x16400] =	vst v63  }
0x17: {  	_ = 	snop  }
0x18: {  	[tilespmem:s14], [sflag:$0x2] =	stream.indirect.gather [hbm4b:s3+s12], $0x80, s12, s12, $0xb8;
	[tilespmem:$0x16400] =	vst v63  }
0x19: {  	_ = 	snop  }
0x1a: {  	[tilespmem:s16], [sflag:$0x3] =	stream.indirect.gather [hbm4b:s3+s12], $0x80, s15, s12, $0xb8;
	[tilespmem:$0x16400] =	vst v63  }
0x1b: {  	_ =	swait.ge [sflag:s17], $0x4000  }
0x1c: {  	[sflag:s17] =	ssyncset.done $0x0  }
0x1d: {  	[sflag:s17] =	ssyncadd.s32 $0xFFFFC000  }
0x1e: {  	[hbm4b:s5+s2] =	stream.linear.scatter [tilespmem:s13], [sflag:$0x5], $0x4000, $0x38;
	[tilespmem:$0x16400] =	vst v63  }
0x1f: {  	_ = 	snop  }
0x20: {  	[tilespmem:s19], [sflag:$0x4] =	stream.indirect.gather [hbm4b:s3+s12], $0x80, s18, s12, $0xb8;
	[tilespmem:$0x16400] =	vst v63  }
0x21: {  	_ =	swait.ge [sflag:s20], $0x4000  }
0x22: {  	[sflag:s20] =	ssyncset.done $0x0  }
0x23: {  	[sflag:s20] =	ssyncadd.s32 $0xFFFFC000  }
0x24: {  	[hbm4b:s6+s2] =	stream.linear.scatter [tilespmem:s14], [sflag:$0x6], $0x4000, $0x38;
	[tilespmem:$0x16400] =	vst v63  }
0x25: {  	_ =	swait.ge [sflag:s21], $0x4000  }
0x26: {  	[sflag:s21] =	ssyncset.done $0x0  }
0x27: {  	s29 =	simm.s32 $0x200;
	[sflag:s21] =	ssyncadd.s32 $0xFFFFC000  }
0x28: {  	[tilespmem:s13], [sflag:$0x1] =	stream.indirect.gather [hbm4b:s3+s12], $0x80, s29, s12, $0xb8;
	[tilespmem:$0x16400] =	vst v63  }
0x29: {  	_ =	swait.ge [sflag:s22], $0x4000  }
0x2a: {  	[sflag:s22] =	ssyncset.done $0x0  }
0x2b: {  	s29 =	sadd.s32 $0xFFFFF800, s10;
	[sflag:s22] =	ssyncadd.s32 $0xFFFFC000  }
0x2c: {  	[hbm4b:s29+s2] =	stream.linear.scatter [tilespmem:s16], [sflag:$0x7], $0x4000, $0x38;
	[tilespmem:$0x16400] =	vst v63  }
0x2d: {  	_ =	swait.ge [sflag:s23], $0x4000  }
0x2e: {  	[sflag:s23] =	ssyncset.done $0x0  }
0x2f: {  	s29 =	simm.s32 $0x280;
	[sflag:s23] =	ssyncadd.s32 $0xFFFFC000  }
0x30: {  	[tilespmem:s14], [sflag:$0x2] =	stream.indirect.gather [hbm4b:s3+s12], $0x80, s29, s12, $0xb8;
	[tilespmem:$0x16400] =	vst v63  }
0x31: {  	_ =	swait.ge [sflag:s24], $0x4000  }
0x32: {  	[sflag:s24] =	ssyncset.done $0x0  }
0x33: {  	[sflag:s24] =	ssyncadd.s32 $0xFFFFC000  }
0x34: {  	[hbm4b:s10+s2] =	stream.linear.scatter [tilespmem:s19], [sflag:$0x8], $0x4000, $0x38;
	[tilespmem:$0x16400] =	vst v63  }
0x35: {  	_ =	swait.ge [sflag:s25], $0x4000  }
0x36: {  	[sflag:s25] =	ssyncset.done $0x0  }
0x37: {  	s29 =	simm.s32 $0x300;
	[sflag:s25] =	ssyncadd.s32 $0xFFFFC000  }
0x38: {  	[tilespmem:s16], [sflag:$0x3] =	stream.indirect.gather [hbm4b:s3+s12], $0x80, s29, s12, $0xb8;
	[tilespmem:$0x16400] =	vst v63  }
0x39: {  	_ =	swait.ge [sflag:s17], $0x4000  }
0x3a: {  	[sflag:s17] =	ssyncset.done $0x0  }
0x3b: {  	s29 =	sadd.s32 $0x800, s10;
	[sflag:s17] =	ssyncadd.s32 $0xFFFFC000  }
0x3c: {  	[hbm4b:s29+s2] =	stream.linear.scatter [tilespmem:s13], [sflag:$0x5], $0x4000, $0x38;
	[tilespmem:$0x16400] =	vst v63  }
0x3d: {  	_ =	swait.ge [sflag:s26], $0x4000  }
0x3e: {  	[sflag:s26] =	ssyncset.done $0x0  }
0x3f: {  	s29 =	simm.s32 $0x380;
	[sflag:s26] =	ssyncadd.s32 $0xFFFFC000  }
0x40: {  	[tilespmem:s19], [sflag:$0x4] =	stream.indirect.gather [hbm4b:s3+s12], $0x80, s29, s12, $0xb8;
	[tilespmem:$0x16400] =	vst v63  }
0x41: {  	_ =	swait.ge [sflag:s20], $0x4000  }
0x42: {  	s31 =	sadd.s32 $0x1000, s10;
	[sflag:s20] =	ssyncset.done $0x0  }
0x43: {  	s30 =	sadd.s32 $0x2000, s10;
	s29 =	simm.s32 $0x800;
	[sflag:s20] =	ssyncadd.s32 $0xFFFFC000  }
.LBB2_2:
0x44: {  	[hbm4b:s31+s2] =	stream.linear.scatter [tilespmem:s14], [sflag:$0x6], $0x4000, $0x38;
	[tilespmem:$0x16400] =	vst v63  }
0x45: {  	s31 =	smov.u32 s29  }
0x46: {  	p0 =	sne.s32 s29, $0x18000;
	s29 =	sadd.s32 $0x800, s29;
	_ =	swait.ge [sflag:s21], $0x4000  }
0x47: {  	s31 =	sshra.s32 s31, $0x2;
	[sflag:s21] =	ssyncset.done $0x0  }
0x48: {  	s0 =	sadd.s32 $0x200, s31;
	[sflag:s21] =	ssyncadd.s32 $0xFFFFC000  }
0x49: {  	[tilespmem:s13], [sflag:$0x1] =	stream.indirect.gather [hbm4b:s3+s12], $0x80, s0, s12, $0xb8;
	[tilespmem:$0x16400] =	vst v63  }
0x4a: {  	_ =	swait.ge [sflag:s22], $0x4000  }
0x4b: {  	[sflag:s22] =	ssyncset.done $0x0  }
0x4c: {  	s0 =	sadd.s32 $0xFFFFF800, s30;
	[sflag:s22] =	ssyncadd.s32 $0xFFFFC000  }
0x4d: {  	[hbm4b:s0+s2] =	stream.linear.scatter [tilespmem:s16], [sflag:$0x7], $0x4000, $0x38;
	[tilespmem:$0x16400] =	vst v63  }
0x4e: {  	_ =	swait.ge [sflag:s23], $0x4000  }
0x4f: {  	[sflag:s23] =	ssyncset.done $0x0  }
0x50: {  	s0 =	sadd.s32 $0x280, s31;
	[sflag:s23] =	ssyncadd.s32 $0xFFFFC000  }
0x51: {  	[tilespmem:s14], [sflag:$0x2] =	stream.indirect.gather [hbm4b:s3+s12], $0x80, s0, s12, $0xb8;
	[tilespmem:$0x16400] =	vst v63  }
0x52: {  	_ =	swait.ge [sflag:s24], $0x4000  }
0x53: {  	[sflag:s24] =	ssyncset.done $0x0  }
0x54: {  	[sflag:s24] =	ssyncadd.s32 $0xFFFFC000  }
0x55: {  	[hbm4b:s30+s2] =	stream.linear.scatter [tilespmem:s19], [sflag:$0x8], $0x4000, $0x38;
	[tilespmem:$0x16400] =	vst v63  }
0x56: {  	_ =	swait.ge [sflag:s25], $0x4000  }
0x57: {  	[sflag:s25] =	ssyncset.done $0x0  }
0x58: {  	s0 =	sadd.s32 $0x300, s31;
	[sflag:s25] =	ssyncadd.s32 $0xFFFFC000  }
0x59: {  	[tilespmem:s16], [sflag:$0x3] =	stream.indirect.gather [hbm4b:s3+s12], $0x80, s0, s12, $0xb8;
	[tilespmem:$0x16400] =	vst v63  }
0x5a: {  	_ =	swait.ge [sflag:s17], $0x4000  }
0x5b: {  	[sflag:s17] =	ssyncset.done $0x0  }
0x5c: {  	s0 =	sadd.s32 $0x800, s30;
	[sflag:s17] =	ssyncadd.s32 $0xFFFFC000  }
0x5d: {  	[hbm4b:s0+s2] =	stream.linear.scatter [tilespmem:s13], [sflag:$0x5], $0x4000, $0x38;
	[tilespmem:$0x16400] =	vst v63  }
0x5e: {  	_ =	swait.ge [sflag:s26], $0x4000  }
0x5f: {  	[sflag:s26] =	ssyncset.done $0x0  }
.Ltmp0:
0x60: {  	s0 =	sadd.s32 $0x380, s31;
	[sflag:s26] =	ssyncadd.s32 $0xFFFFC000;
	(pc) =	sbr.rel @p0 .LBB2_2-.Ltmp0, $4  }
0x61: {  	[tilespmem:s19], [sflag:$0x4] =	stream.indirect.gather [hbm4b:s3+s12], $0x80, s0, s12, $0xb8;
	[tilespmem:$0x16400] =	vst v63  }
0x62: {  	_ =	swait.ge [sflag:s20], $0x4000  }
0x63: {  	[sflag:s20] =	ssyncset.done $0x0  }
0x64: {  	s31 =	sadd.s32 $0x1000, s30;
	s30 =	sadd.s32 $0x2000, s30;
	[sflag:s20] =	ssyncadd.s32 $0xFFFFC000  }
0x65: {  	[hbm4b:s31+s2] =	stream.linear.scatter [tilespmem:s14], [sflag:$0x6], $0x4000, $0x38;
	[tilespmem:$0x16400] =	vst v63  }
0x66: {  	_ =	swait.ge [sflag:s21], $0x4000  }
0x67: {  	[sflag:s21] =	ssyncset.done $0x0  }
0x68: {  	[sflag:s21] =	ssyncadd.s32 $0xFFFFC000  }
0x69: {  	_ =	swait.ge [sflag:s22], $0x4000  }
0x6a: {  	[sflag:s22] =	ssyncset.done $0x0  }
0x6b: {  	[sflag:s22] =	ssyncadd.s32 $0xFFFFC000  }
0x6c: {  	[hbm4b:s7+s2] =	stream.linear.scatter [tilespmem:s16], [sflag:$0x7], $0x4000, $0x38;
	[tilespmem:$0x16400] =	vst v63  }
0x6d: {  	_ =	swait.ge [sflag:s23], $0x4000  }
0x6e: {  	[sflag:s23] =	ssyncset.done $0x0  }
0x6f: {  	[sflag:s23] =	ssyncadd.s32 $0xFFFFC000  }
0x70: {  	_ =	swait.ge [sflag:s24], $0x4000  }
0x71: {  	[sflag:s24] =	ssyncset.done $0x0  }
0x72: {  	s28 =	sadd.s32 $0x1, s28;
	[sflag:s24] =	ssyncadd.s32 $0xFFFFC000  }
0x73: {  	[hbm4b:s8+s2] =	stream.linear.scatter [tilespmem:s19], [sflag:$0x8], $0x4000, $0x38;
	[tilespmem:$0x16400] =	vst v63  }
0x74: {  	p0 =	sne.s32 s28, s9;
	_ =	swait.ge [sflag:s25], $0x4000  }
.Ltmp1:
0x75: {  	[sflag:s25] =	ssyncset.done $0x0;
	(pc) =	sbr.rel @p0 .LBB2_1-.Ltmp1, $4  }
0x76: {  	[sflag:s25] =	ssyncadd.s32 $0xFFFFC000  }
0x77: {  	_ =	swait.ge [sflag:s26], $0x4000  }
0x78: {  	[sflag:s26] =	ssyncset.done $0x0  }
0x79: {  	[sflag:s26] =	ssyncadd.s32 $0xFFFFC000  }
0x7a: {  	_ =	sfence.sel $0x180000  }
0x7b: {  	[bflag:$0x0] =	sbarrier.arrive $0xFFFF  }
0x7c: {  	_ =	strace $0x90000047  }
0x7d: {  	[bflag:$0x2] =	sbarrier.arrive $0xFFFF  }
0x7e: {  	p0 =	sne.s32 s1, $0x0;
	s0 =	rddreg [dreg:$0x2]  }
0x7f: {  	s0 =	sadd.s32 @!p0 $0x100000, s0  }
0x80: {  	[sflag:s0] =	ssyncadd.tile.s32 @!p0 $0x1;
	_ =	shalt  }
.Lfunc_end2:
_tile_overlayer_lowered:
.L_overlay_start_2:
0x81: {  	(tag) =	ssettag $0x2  }
0x82: {  	s0 =	rddreg [dreg:$0x0];
	s2 =	stileid.u32  }
0x83: {  	s1 =	rddreg [dreg:$0x1];
	p0 =	sne.s32 s2, $0x0  }
0x84: {  	s3 =	rddreg [dreg:$0x2];
	[bflag:$0x3] =	sbarrier.arrive $0xFFFF;
	s2 =	simm.s32 @!p0 $0x1C09  }
0x85: {  	[timem:s3], [sflag:s2] =	dma.local @!p0 [hbm:s0], s1  }
0x86: {  	s0 =	simm.s32 @!p0 $0x9  }
0x87: {  	_ =	swait.ge @!p0 [sflag:s0], s1  }
0x88: {  	s1 =	ssub.s32 @!p0 $0x0, s1;
	[sflag:s0] =	ssyncset.done @!p0 $0x0  }
0x89: {  	[sflag:s0] =	ssyncadd.s32 @!p0 s1  }
0x8a: {  	[bflag:$0x3] =	sbarrier.arrive $0xFFFF  }
0x8b: {  	_ =	shalt  }

// kernel: sparse-core-data-format-call.cloned.1.call-start
scs
called_computation_lowered:
.L_overlay_start_0:
0x0: {  	s2 =	sld [smem:$0x3FD9]  }
0x1: {  	s3 =	sld [smem:$0x3FFE];
	_ =	sdelay $0x1  }
0x2: {  	s1 =	srdreg.scid  }
0x3: {  	s0 =	sand.u32 $0x1, s1  }
0x4: {  	s18 =	sshll.u32 s0, $0xA;
	s2 =	sadd.s32 s3, s2  }
0x5: {  	s2 =	sadd.s32 s2, s18  }
0x6: {  	[smem:$0x3FC6] =	sst s2  }
0x7: {  	_ = 	snop  }
0x8: {  	s2 =	sld [smem:$0x3FD0];
	(tm) =	ssettm $0x1  }
0x9: {  	s19 =	sld [smem:$0x3FFB];
	_ =	sdelay $0x3  }
0xa: {  	_ =	strace s19  }
0xb: {  	s3 =	sld [smem:$0x3FFC];
	_ =	sdelay $0x3  }
0xc: {  	_ =	strace s3  }
0xd: {  	s3 =	sld [smem:$0x3FFD];
	_ =	sdelay $0x3  }
0xe: {  	_ =	strace s3  }
0xf: {  	_ =	strace $0x8FFFFFFF  }
0x10: {  	s20 =	sld [smem:$0x3FDB];
	_ =	sdelay $0x1  }
0x11: {  	s4 =	simm.s32 $_scs_section_size  }
0x12: {  	s5 =	simm.s32 $_size__tile_overlayer_lowered;
	s6 =	simm.s32 $_tile_overlayer_lowered  }
0x13: {  	s23 =	simm.s32 $0x1BFF;
	s22 =	sshll.u32 s6, $0x1;
	s3 =	sadd.s32 s4, s20  }
0x14: {  	s7 =	simm.s32 $0x0;
	s21 =	sshll.u32 s5, $0x1;
	s5 =	sadd.s32 s22, s3  }
0x15: {  	[timem:s7], [sflag:s23] =	dma.local [hbm:s5], s21  }
0x16: {  	_ =	swait.ge [sflag:s23], s21  }
0x17: {  	s4 =	ssub.s32 $0x0, s21;
	[sflag:s23] =	ssyncset.done $0x0  }
0x18: {  	[sflag:s23] =	ssyncadd.s32 s4;
	_ =	sdelay $0x1  }
0x19: {  	s24 =	simm.s32 $0x1B8B  }
0x1a: {  	_ =	swait.ge [sflag:s24], $0x1  }
0x1b: {  	[sflag:s24] =	ssyncset.done $0x0  }
0x1c: {  	s26 =	simm.s32 $0x1B8E;
	s25 =	sld [smem:$0x3FFE];
	[sflag:s24] =	ssyncadd.s32 $0xFFFFFFFF  }
0x1d: {  	s27 =	simm.s32 $execute0_lowered;
	[smem:$0x3FD2] =	sst s26  }
0x1e: {  	s5 =	sshll.u32 s27, $0x1;
	_ =	strace $0x80000049;
	[dreg:$0x1] =	wrdreg $0xFFFFFFFF  }
0x1f: {  	s28 =	simm.s32 $_size_execute0_lowered;
	s3 =	sadd.s32 s3, s5;
	[dreg:$0x0] =	wrdreg $0x0  }
0x20: {  	s5 =	sshll.u32 s28, $0x1;
	[dreg:$0x2] =	wrdreg s3  }
0x21: {  	[dreg:$0x3] =	wrdreg s5  }
0x22: {  	[dreg:$0x4] =	wrdreg $0xC0  }
0x23: {  	_ =	task [dreg:s7], $0x5FFFF  }
0x24: {  	[dreg:$0x1] =	wrdreg $0xFFFFFFFF  }
0x25: {  	[dreg:$0x0] =	wrdreg $0x60  }
0x26: {  	[dreg:$0x2] =	wrdreg s25  }
0x27: {  	[dreg:$0x3] =	wrdreg s2  }
0x28: {  	[dreg:$0x4] =	wrdreg $0x9  }
0x29: {  	_ =	task.clear_ibuf [dreg:s7], $0x5FFFF;
	_ =	strace $0x90000049  }
0x2a: {  	s29 =	simm.s32 $0x9;
	_ =	strace $0x8000004B  }
0x2b: {  	_ =	swait.ge [sflag:s29], $0x1  }
0x2c: {  	[sflag:s29] =	ssyncadd.s32 $0xFFFFFFFF  }
0x2d: {  	_ =	strace $0x9000004B  }
0x2e: {  	_ =	sfence  }
0x2f: {  	s30 =	sld [smem:$0x0];
	_ =	sdelay $0x2  }
0x30: {  	s31 =	sshll.u32 s1, $0xD;
	s1 =	sshrl.u32 s1, $0x2  }
0x31: {  	s3 =	sand.u32 $0x4000, s31;
	s1 =	sadd.s32 s1, s30  }
0x32: {  	s0 =	sor.u32 s3, s0;
	s1 =	sshll.u32 s1, $0x11  }
0x33: {  	s0 =	sor.u32 s1, s0  }
0x34: {  	s0 =	sadd.s32 $0x8F2B, s0  }
0x35: {  	[sflag:s0] =	ssyncadd.remote.s32 $0x1  }
0x36: {  	_ =	sfence.sel $0xFFFF  }
0x37: {  	[dreg:$0x0] =	wrdreg $0xFFFFFFFF;
	(pc) =	sbr.abs _section_cstart, $3  }
0x38: {  	[dreg:$0x1] =	wrdreg $0xFFFFFFFF  }
0x39: {  	_ =	task.clear_ibuf [dreg:s7], $0x2FFFF;
	_ =	strace $0x9FFFFFFF  }
0x3a: {  	(tm) =	ssettm $0x7FFFFFFF  }
0x3b: {  	_ =	shalt  }
tec
execute0_lowered:
.L_overlay_start_1:
0x0: {  	(tag) =	ssettag $0x1  }
0x1: {  	s0 =	srdreg.scid  }
0x2: {  	s1 =	sshll.u32 s0, $0x4  }
0x3: {  	s0 =	stileid.u32;
	s1 =	sand.u32 $0x10, s1  }
0x4: {  	s1 =	sor.u32 s0, s1  }
0x5: {  	s6 =	rddreg [dreg:$0x0];
	s4 =	simm.s32 $0x1;
	s2 =	sshll.u32 s1, $0x7  }
0x6: {  	s7 =	simm.s32 $0x2;
	s12 =	simm.s32 $0x0;
	s1 =	ssub.s32 $0x1000, s2  }
0x7: {  	s8 =	simm.s32 $0x8000;
	s13 =	simm.s32 $0x0;
	s3 =	sand.u32 $0xF80, s1  }
0x8: {  	s9 =	simm.s32 $0x0;
	s5 =	sshrl.u32 s1, $0xC;
	p0 =	sne.s32 s3, $0x0  }
.Ltmp0:
0x9: {  	s1 =	rddreg [dreg:$0x2];
	s4 =	simm.s32 @!p0 $0x0;
	(pc) =	sbr.rel .LBB1_1-.Ltmp0, $4  }
0xa: {  	s11 =	simm.s32 $0x0;
	s3 =	rddreg [dreg:$0x1];
	s5 =	sadd.s32 s4, s5  }
0xb: {  	_ =	strace $0x8000004A;
	s4 =	simm.s32 $0x1;
	s5 =	smul.u32 $0xC8, s5  }
0xc: {  	s6 =	sadd.s32 $0xA00, s6;
	s10 =	smov.u32 s2;
	[sflag:s4] =	ssyncpa.u1 $0x0  }
0xd: {  	p0 =	por $0x0, $0x0;
	[sflag:s7] =	ssyncpa.u1 $0x0;
	s7 =	sor.u32 $0x1, s5  }
.LBB1_4:
0xe: {  	s16 =	sshll.u32 s13, $0x3;
	s17 =	sand.u32 $0x78, s13  }
0xf: {  	s30 =	sand.u32 $0x7E00, s13;
	s12 =	sshll.u32 s12, $0xF;
	s16 =	sand.u32 $0xC00, s16  }
0x10: {  	[tilespmem:s15+$0x810 ss:$0x81] =	vst.msk $0xffff, v2;
	s31 =	sand.u32 $0x7, s13;
	s16 =	sor.u32 s17, s16;
	s17 =	sadd.s32 s3, s30  }
0x11: {  	[tilespmem:s15+$0x1020 ss:$0x81] =	vst.msk $0xffff, v0;
	s13 =	sshll.u32 s31, $0x12;
	s12 =	sadd.s32 s12, s17;
	s16 =	sshrl.u32 s16, $0x3  }
0x12: {  	[tilespmem:s15+$0x0 ss:$0x81] =	vst.msk $0xffff, v1;
	s13 =	sor.u32 $0x400, s13;
	s12 =	sadd.s32 s16, s12  }
0x13: {  	[hbm4b:s12+s13] =	stream.strided.scatter [tilespmem:s14], [sflag:$0x2], $0x2000, s8, s13, $0x20;
	[tilespmem:$0x8080] =	vst v63  }
.LBB1_5:
0x14: {  	s14 =	sadd.s32 $0x1, s9  }
0x15: {  	s12 =	sadd.s32 $0x1000, s10;
	s16 =	smov.u32 s10;
	p2 =	sgt.s32 s14, $0xC7  }
0x16: {  	s16 =	smov.u32 @p2 s12  }
0x17: {  	s14 =	simm.s32 @p2 $0x0;
	p2 =	sgt.s32 s16, $0xFFF  }
0x18: {  	s16 =	smov.u32 @p2 s2;
	p2 =	sne.s32 s11, s7  }
.Ltmp1:
0x19: {  	p1 =	slt.u32 s11, $0x2;
	(pc) =	sbr.rel @!p2 .LBB1_6-.Ltmp1, $4  }
0x1a: {  	s15 =	simm.s32 @!p1 $0x2  }
0x1b: {  	s13 =	smov.u32 s10;
	p0 =	por !p0, !p0;
	_ =	swait.ge @!p1 [sflag:s15], $0x2000  }
0x1c: {  	s12 =	smov.u32 s9;
	[sflag:s15] =	ssyncset.done @!p1 $0x0;
	s9 =	smov.u32 s14  }
0x1d: {  	s11 =	sadd.s32 $0x1, s11;
	[sflag:s15] =	ssyncadd.s32 @!p1 $0xFFFFE000;
	s10 =	smov.u32 s16  }
.LBB1_1:
0x1e: {  	p1 =	sge.u32 s11, s5  }
0x1f: {  	s14 =	sand.u32 @!p1 $0x1FFFFFF, s9  }
0x20: {  	s15 =	smulhi.u32 @!p1 $0x147AE15, s14;
	_ =	sdelay $0x1  }
0x21: {  	s15 =	smul.u32 @!p1 $0xC8, s15  }
0x22: {  	s16 =	sxor.u32 @!p1 $0xFFFFFFFF, s11;
	s17 =	smul.u32 @!p1 $0xC80, s10  }
0x23: {  	s31 =	sadd.s32 $0xFFFFFFFF, s11;
	s16 =	sshll.u32 @!p1 s16, $0xD;
	s14 =	ssub.s32 @!p1 s14, s15  }
0x24: {  	s15 =	sand.u32 @!p1 $0x2000, s16;
	s16 =	sadd.s32 @!p1 s6, s17;
	s14 =	sshll.u32 @!p1 s14, $0x4  }
0x25: {  	s17 =	simm.s32 @!p1 $0x6400;
	s14 =	sadd.s32 @!p1 s14, s16;
	s16 =	simm.s32 @!p1 $0x40  }
0x26: {  	[tilespmem:s15], [sflag:$0x1] =	stream.strided.gather @!p1 [hbm4b:s14+s16], $0x2000, s17, s16, $0x38;
	[tilespmem:$0x8080] =	vst v63  }
0x27: {  	p1 =	sge.u32 s31, s5  }
.Ltmp2:
0x28: {  	_ = 	snop;
	(pc) =	sbr.rel @p1 .LBB1_5-.Ltmp2, $1  }
0x29: {  	_ =	sdelay $0x3  }
0x2a: {  	s14 =	simm.s32 $0x1  }
0x2b: {  	_ =	swait.ge [sflag:s4], $0x2000;
	s14 =	simm.s32 @!p0 $0x0  }
0x2c: {  	[sflag:s4] =	ssyncset.done $0x0;
	s15 =	sshll.u32 s14, $0xD  }
0x2d: {  	[sflag:s4] =	ssyncadd.s32 $0xFFFFE000;
	s18 =	sor.u32 $0x20, s15  }
0x2e: {  	s14 =	smul.u32 $0x8100, s14;
	v3 =	vld [tilespmem:s18+$0x10]  }
0x2f: {  	s30 =	sand.u32 $0x1, s11;
	v2 =	vld [tilespmem:s18+$0xFFFFFFF0]  }
0x30: {  	s15 =	smul.u32 $0x8100, s30;
	s14 =	sshrl.u32 s14, $0x2;
	v0 =	vld [tilespmem:s18+$0x0]  }
0x31: {  	v1 =	vld [tilespmem:s18+$0xFFFFFFE0];
	s16 =	sor.u32 $0x4000, s14  }
0x32: {  	s31 =	sshrl.u32 s15, $0x2;
	s15 =	sadd.s32 $0x0, s16  }
0x33: {  	s17 =	simm.s32 $0x4;
	s18 =	sadd.s32 $0x40, s18;
	s14 =	sor.u32 $0x4000, s31;
	[tilespmem:s15+$0x1830 ss:$0x81] =	vst.msk $0xffff, v3  }
.LBB1_3:
0x34: {  	v3 =	vld [tilespmem:s18+$0x10];
	p1 =	sne.s32 s17, $0x1FC;
	[tilespmem:s15+$0x810 ss:$0x81] =	vst.msk $0xffff, v2;
	s19 =	smov.u32 s17;
	s17 =	sadd.s32 $0x4, s17  }
.Ltmp3:
0x35: {  	v2 =	vld [tilespmem:s18+$0xFFFFFFF0];
	[tilespmem:s15+$0x1020 ss:$0x81] =	vst.msk $0xffff, v0;
	(pc) =	sbr.rel @p1 .LBB1_3-.Ltmp3, $4  }
0x36: {  	v0 =	vld [tilespmem:s18+$0x0];
	[tilespmem:s15+$0x0 ss:$0x81] =	vst.msk $0xffff, v1  }
0x37: {  	s15 =	sshra.s32 s19, $0x2;
	v1 =	vld [tilespmem:s18+$0xFFFFFFE0]  }
0x38: {  	s15 =	sadd.s32 s15, s16  }
0x39: {  	s18 =	sadd.s32 $0x40, s18;
	[tilespmem:s15+$0x1830 ss:$0x81] =	vst.msk $0xffff, v3  }
.Ltmp4:
0x3a: {  	_ = 	snop;
	(pc) =	sbr.rel .LBB1_4-.Ltmp4, $1  }
0x3b: {  	_ =	sdelay $0x3  }
.LBB1_6:
0x3c: {  	_ =	sfence.sel $0x180000  }
0x3d: {  	s2 =	simm.s32 $0x1;
	[bflag:$0x0] =	sbarrier.arrive $0xFFFF  }
0x3e: {  	s31 =	simm.s32 $0x2;
	[sflag:s2] =	ssyncpa.u1 $0x1  }
0x3f: {  	[sflag:s31] =	ssyncpa.u1 $0x1  }
0x40: {  	p0 =	sne.s32 s0, $0x0;
	_ =	strace $0x9000004A  }
0x41: {  	s0 =	sadd.s32 @!p0 $0x100000, s1;
	[bflag:$0x2] =	sbarrier.arrive $0xFFFF  }
0x42: {  	[sflag:s0] =	ssyncadd.tile.s32 @!p0 $0x1;
	_ =	shalt  }
.Lfunc_end1:
_tile_overlayer_lowered:
.L_overlay_start_2:
0x43: {  	(tag) =	ssettag $0x2  }
0x44: {  	s0 =	rddreg [dreg:$0x0];
	s2 =	stileid.u32  }
0x45: {  	s1 =	rddreg [dreg:$0x1];
	p0 =	sne.s32 s2, $0x0  }
0x46: {  	s3 =	rddreg [dreg:$0x2];
	[bflag:$0x3] =	sbarrier.arrive $0xFFFF;
	s2 =	simm.s32 @!p0 $0x1C01  }
0x47: {  	[timem:s3], [sflag:s2] =	dma.local @!p0 [hbm:s0], s1  }
0x48: {  	s0 =	simm.s32 @!p0 $0x1  }
0x49: {  	_ =	swait.ge @!p0 [sflag:s0], s1  }
0x4a: {  	s1 =	ssub.s32 @!p0 $0x0, s1;
	[sflag:s0] =	ssyncset.done @!p0 $0x0  }
0x4b: {  	[sflag:s0] =	ssyncadd.s32 @!p0 s1  }
0x4c: {  	[bflag:$0x3] =	sbarrier.arrive $0xFFFF  }
0x4d: {  	_ =	shalt  }

</sc_bundles>
